<compile_context>
chip_gen: v7x
topology: tpu7x:2x2x1
jax: 0.10.2.dev20260603
libtpu: 0.0.44.dev20260713+nightly
codegen_flags: <defaults>
</compile_context>

<pallas_src>
import jax
import jax.numpy as jnp
from jax import lax
from jax.experimental import pallas as pl
from jax.experimental.pallas import tpu as pltpu

_STRIDES = (8.0, 16.0, 32.0)
_REG_MAX = 7
_TOP_K_N = 100
_IOU_THRESHOLD = 0.5
_BOX_SCORE = 0.3
_INP_H = 640.0
_INP_W = 640.0
_NMS_PRE = 1000

_C = 80
_P2 = 4
_C2 = _C * _P2
_N = 2432
_TP = 128
_NEG = -jnp.inf


def _nms_kernel(s_ref, x1_ref, y1_ref, x2_ref, y2_ref, o_ref,
                sw_ref, pm_ref, ss_ref, sb_ref,
                x1b_ref, y1b_ref, x2b_ref, y2b_ref, a2b_ref):
    def wide(cref):
        v = cref[0]
        return jnp.concatenate(
            [jnp.broadcast_to(v[i:i + 1], (_C, _N))
             for i in range(_P2)], axis=0)

    x1b_ref[...] = wide(x1_ref)
    y1b_ref[...] = wide(y1_ref)
    x2b_ref[...] = wide(x2_ref)
    y2b_ref[...] = wide(y2_ref)
    X1 = x1b_ref[...]
    Y1 = y1b_ref[...]
    X2 = x2b_ref[...]
    Y2 = y2b_ref[...]
    a2b_ref[...] = (jnp.maximum(X2 - X1, 0.0) *
                    jnp.maximum(Y2 - Y1, 0.0))
    a2 = a2b_ref[...]

    sw_ref[...] = s_ref[0]
    ss_ref[...] = jnp.full((_C2, _TP), _NEG, jnp.float32)

    iota_n = lax.broadcasted_iota(jnp.int32, (_C2, _N), 1)
    col_tp = lax.broadcasted_iota(jnp.int32, (_C2, _TP), 1)
    zpad4 = jnp.zeros((_C2, 4), jnp.float32)

    def step(t, carry):
        s = sw_ref[...]
        bs = jnp.max(s, axis=1, keepdims=True)
        bi = jnp.min(jnp.where(s == bs, iota_n, _N), axis=1,
                     keepdims=True)
        oh = iota_n == bi
        bx1 = jnp.max(jnp.where(oh, X1, -1.0), axis=1, keepdims=True)
        by1 = jnp.max(jnp.where(oh, Y1, -1.0), axis=1, keepdims=True)
        bx2 = jnp.max(jnp.where(oh, X2, -1.0), axis=1, keepdims=True)
        by2 = jnp.max(jnp.where(oh, Y2, -1.0), axis=1, keepdims=True)
        ix1 = jnp.maximum(bx1, X1)
        iy1 = jnp.maximum(by1, Y1)
        ix2 = jnp.minimum(bx2, X2)
        iy2 = jnp.minimum(by2, Y2)
        inter = jnp.maximum(ix2 - ix1, 0.0) * jnp.maximum(iy2 - iy1, 0.0)
        a1 = jnp.maximum(bx2 - bx1, 0.0) * jnp.maximum(by2 - by1, 0.0)
        iou = inter / (a1 + a2 - inter + 1e-9)
        sw_ref[...] = jnp.where(iou > _IOU_THRESHOLD, _NEG, s)

        colm = col_tp == t
        ss_ref[...] = jnp.where(colm, bs, ss_ref[...])
        sb_ref[:, pl.ds(t, 1), :] = jnp.concatenate(
            [bx1, by1, bx2, by2, zpad4], axis=1)[:, None, :]
        return carry

    lax.fori_loop(0, _TOP_K_N, step, 0)

    selS = ss_ref[...]
    selS = jnp.where(jnp.isfinite(selS), selS, 0.0)
    pm_ref[...] = jnp.where(col_tp < _TOP_K_N, selS, _NEG)
    row_c1 = lax.broadcasted_iota(jnp.int32, (_C, 1), 0)
    row_ctp = lax.broadcasted_iota(jnp.int32, (_C, _TP), 0)
    col_ctp = lax.broadcasted_iota(jnp.int32, (_C, _TP), 1)
    lane8 = lax.broadcasted_iota(jnp.int32, (1, 8), 1)

    def half(p, base, rwoff):
        rm = jnp.max(p, axis=1, keepdims=True)
        coli = jnp.min(jnp.where(p == rm, col_ctp, _TP), axis=1,
                       keepdims=True)
        g = jnp.max(rm)
        rwin = jnp.min(jnp.where(rm == g, row_c1, _C))
        cwin = jnp.min(jnp.where(row_c1 == rwin, coli, _TP))
        pnew = jnp.where((row_ctp == rwin) & (col_ctp == cwin), _NEG, p)
        q = sb_ref[pl.ds(rwin + rwoff, 1), pl.ds(cwin, 1), :][0]
        q = jnp.where(lane8 == 4, g, q)
        q = jnp.where(lane8 == 5, rwin.astype(jnp.float32), q)
        q = jnp.where(g > _BOX_SCORE, q, 0.0)
        return pnew, q

    def mstep(t, carry):
        newps = []
        for i in range(_P2):
            pi, qi = half(carry[i], 0, i * _C)
            o_ref[0, i, pl.ds(t, 1), :] = qi
            newps.append(pi)
        return tuple(newps)

    P = pm_ref[...]
    lax.fori_loop(0, _TOP_K_N, mstep,
                  tuple(P[i * _C:(i + 1) * _C] for i in range(_P2)))


def _decode_level(cls_score, bbox_pred, stride):
    h, w, c = cls_score.shape
    scores = jax.nn.sigmoid(cls_score.reshape(-1, c))
    x = jax.nn.softmax(bbox_pred.reshape(-1, _REG_MAX + 1), axis=-1)
    ln = jnp.arange(_REG_MAX + 1, dtype=jnp.float32)[:, None]
    dist = (x @ ln).reshape(-1, 4) * stride
    y_range = (jnp.arange(h, dtype=jnp.float32) + 0.5) * stride
    x_range = (jnp.arange(w, dtype=jnp.float32) + 0.5) * stride
    yy = jnp.repeat(y_range, w)
    xx = jnp.tile(x_range, h)
    points = jnp.stack([yy, xx], axis=-1)
    if h * w > _NMS_PRE:
        max_scores = jnp.max(scores, axis=-1)
        _, topk = jax.lax.top_k(max_scores, _NMS_PRE)
        points = points[topk]
        dist = dist[topk]
        scores = scores[topk]
    y1 = jnp.clip(points[:, 0] - dist[:, 0], 0.0, _INP_H)
    x1 = jnp.clip(points[:, 1] - dist[:, 1], 0.0, _INP_W)
    y2 = jnp.clip(points[:, 0] + dist[:, 2], 0.0, _INP_H)
    x2 = jnp.clip(points[:, 1] + dist[:, 3], 0.0, _INP_W)
    return jnp.stack([x1, y1, x2, y2], axis=-1), scores


def _postprocess(cls0, box0, cls1, box1, cls2, box2, origin_shapes):
    B = cls0.shape[0]
    G = B // _P2
    levels = [(cls0, box0, _STRIDES[0]), (cls1, box1, _STRIDES[1]),
              (cls2, box2, _STRIDES[2])]
    bb_list, sc_list = [], []
    for cls_l, box_l, s in levels:
        bb, sc = jax.vmap(lambda c, b, s=s: _decode_level(c, b, s))(cls_l, box_l)
        bb_list.append(bb)
        sc_list.append(sc)
    boxes = jnp.concatenate(bb_list, axis=1)
    scores = jnp.concatenate(sc_list, axis=1)
    n = boxes.shape[1]

    s_in = jnp.full((B, _C, _N), _NEG, jnp.float32)
    s_in = s_in.at[:, :, :n].set(scores.transpose(0, 2, 1))
    s_in = s_in.reshape(G, _C2, _N)
    coords = []
    for k in range(4):
        c = jnp.zeros((B, 1, _N), jnp.float32)
        coords.append(c.at[:, 0, :n].set(boxes[..., k]).reshape(G, _P2, _N))
    x1c, y1c, x2c, y2c = coords

    out = pl.pallas_call(
        _nms_kernel,
        grid=(G,),
        in_specs=[
            pl.BlockSpec((1, _C2, _N), lambda b: (b, 0, 0)),
            pl.BlockSpec((1, _P2, _N), lambda b: (b, 0, 0)),
            pl.BlockSpec((1, _P2, _N), lambda b: (b, 0, 0)),
            pl.BlockSpec((1, _P2, _N), lambda b: (b, 0, 0)),
            pl.BlockSpec((1, _P2, _N), lambda b: (b, 0, 0)),
        ],
        out_specs=pl.BlockSpec((1, _P2, _TP, 8), lambda b: (b, 0, 0, 0)),
        out_shape=jax.ShapeDtypeStruct((G, _P2, _TP, 8), jnp.float32),
        scratch_shapes=[
            pltpu.VMEM((_C2, _N), jnp.float32),
            pltpu.VMEM((_C2, _TP), jnp.float32),
            pltpu.VMEM((_C2, _TP), jnp.float32),
            pltpu.VMEM((_C2, _TP, 8), jnp.float32),
            pltpu.VMEM((_C2, _N), jnp.float32),
            pltpu.VMEM((_C2, _N), jnp.float32),
            pltpu.VMEM((_C2, _N), jnp.float32),
            pltpu.VMEM((_C2, _N), jnp.float32),
            pltpu.VMEM((_C2, _N), jnp.float32),
        ],
    )(s_in, x1c, y1c, x2c, y2c)
    return out.reshape(B, _TP, 8)[:, :_TOP_K_N, :6]


_postprocess_jit = jax.jit(_postprocess)


def kernel(cls0, box0, cls1, box1, cls2, box2, origin_shapes):
    return _postprocess_jit(cls0, box0, cls1, box1, cls2, box2, origin_shapes)

# --- scband reference (transcript-rebuilt; emitter-appended) ---
"""Pipeline reference for scband-apost-model-22874995818938 (READ-ONLY COPY).

The authoritative reference and input builder live on the scoring server;
editing this copy changes nothing except your own understanding.
"""

import jax, jax.numpy as jnp
import numpy as np

STRIDES = (8.0, 16.0, 32.0)
REG_MAX = 7
TOP_K_N = 100
IOU_THRESHOLD = 0.5
BOX_SCORE = 0.3
INP_H = 640.0
INP_W = 640.0
NMS_PRE = 1000


def setup_inputs(seed: int = 0) -> dict:
    key = jax.random.key(seed)
    ks = jax.random.split(key, 7)
    B = 16
    C = 80
    R4 = 4 * (REG_MAX + 1)
    return {
        "cls0": jax.random.normal(ks[0], (B, 80, 80, C), dtype=jnp.float32),
        "box0": jax.random.normal(ks[1], (B, 80, 80, R4), dtype=jnp.float32),
        "cls1": jax.random.normal(ks[2], (B, 40, 40, C), dtype=jnp.float32),
        "box1": jax.random.normal(ks[3], (B, 40, 40, R4), dtype=jnp.float32),
        "cls2": jax.random.normal(ks[4], (B, 20, 20, C), dtype=jnp.float32),
        "box2": jax.random.normal(ks[5], (B, 20, 20, R4), dtype=jnp.float32),
        "origin_shapes": jax.random.randint(ks[6], (B, 2), 480, 1920).astype(jnp.float32),
    }


def _level_bboxes(cls_score, bbox_pred, stride):
    h, w, c = cls_score.shape
    scores = jax.nn.sigmoid(cls_score.reshape(-1, c))
    x = jax.nn.softmax(bbox_pred.reshape(-1, REG_MAX + 1), axis=-1)
    ln = jnp.arange(REG_MAX + 1, dtype=jnp.float32)[:, None]
    dist = (x @ ln).reshape(-1, 4) * stride
    y_range = (jnp.arange(h, dtype=jnp.float32) + 0.5) * stride
    x_range = (jnp.arange(w, dtype=jnp.float32) + 0.5) * stride
    yy = jnp.repeat(y_range, w)
    xx = jnp.tile(x_range, h)
    points = jnp.stack([yy, xx], axis=-1)
    if h * w > NMS_PRE:
        max_scores = jnp.max(scores, axis=-1)
        _, topk = jax.lax.top_k(max_scores, NMS_PRE)
        points = points[topk]
        dist = dist[topk]
        scores = scores[topk]
    y1 = jnp.clip(points[:, 0] - dist[:, 0], 0.0, INP_H)
    x1 = jnp.clip(points[:, 1] - dist[:, 1], 0.0, INP_W)
    y2 = jnp.clip(points[:, 0] + dist[:, 2], 0.0, INP_H)
    x2 = jnp.clip(points[:, 1] + dist[:, 3], 0.0, INP_W)
    # original swaps (y,x) -> (x,y) for tl and br
    return jnp.stack([x1, y1, x2, y2], axis=-1), scores


def _nms_single(boxes, scores):
    def step(sw, _):
        best = jnp.argmax(sw)
        bs = sw[best]
        bb = boxes[best]
        ix1 = jnp.maximum(bb[0], boxes[:, 0])
        iy1 = jnp.maximum(bb[1], boxes[:, 1])
        ix2 = jnp.minimum(bb[2], boxes[:, 2])
        iy2 = jnp.minimum(bb[3], boxes[:, 3])
        inter = jnp.clip(ix2 - ix1, 0.0) * jnp.clip(iy2 - iy1, 0.0)
        a1 = jnp.clip(bb[2] - bb[0], 0.0) * jnp.clip(bb[3] - bb[1], 0.0)
        a2 = jnp.clip(boxes[:, 2] - boxes[:, 0], 0.0) * jnp.clip(boxes[:, 3] - boxes[:, 1], 0.0)
        iou = inter / (a1 + a2 - inter + 1e-9)
        sw2 = jnp.where(iou > IOU_THRESHOLD, -jnp.inf, sw)
        sw2 = sw2.at[best].set(-jnp.inf)
        return sw2, (bb, bs)

    _, (sel_boxes, sel_scores) = jax.lax.scan(step, scores, None, length=TOP_K_N)
    valid = jnp.isfinite(sel_scores)
    sel_scores = jnp.where(valid, sel_scores, 0.0)
    sel_boxes = jnp.where(valid[:, None], sel_boxes, 0.0)
    return sel_boxes, sel_scores


def _combined_nms(boxes, scores):
    num_classes = scores.shape[1]
    cb, cs = jax.vmap(lambda s: _nms_single(boxes, s), in_axes=1)(scores)
    classes = jnp.broadcast_to(jnp.arange(num_classes, dtype=jnp.float32)[:, None], cs.shape)
    flat_b = cb.reshape(-1, 4)
    flat_s = cs.reshape(-1)
    flat_c = classes.reshape(-1)
    top_s, idx = jax.lax.top_k(flat_s, TOP_K_N)
    return flat_b[idx], top_s, flat_c[idx]


def _forward(cls0, box0, cls1, box1, cls2, box2, origin_shapes):
    inp_shape = jnp.array([INP_H, INP_W], dtype=jnp.float32)
    resize_ratio = origin_shapes / inp_shape[None, :]
    level_inputs = [(cls0, box0, STRIDES[0]), (cls1, box1, STRIDES[1]), (cls2, box2, STRIDES[2])]
    bb_list = []
    sc_list = []
    for cls_l, box_l, s in level_inputs:
        bb, sc = jax.vmap(lambda c, b, s=s: _level_bboxes(c, b, s))(cls_l, box_l)
        bb_list.append(bb)
        sc_list.append(sc)
    boxes = jnp.concatenate(bb_list, axis=1)
    scores = jnp.concatenate(sc_list, axis=1)
    nb, ns, nc = jax.vmap(_combined_nms)(boxes, scores)
    # original computes a rescaled copy via einsum then discards it (dead code kept)
    rr = jnp.tile(resize_ratio[:, ::-1], (1, 2))
    _scaled = jnp.einsum('bnd,bd->bnd', nb, rr)
    mask = ns > BOX_SCORE
    out = jnp.concatenate([nb, ns[..., None], nc[..., None]], axis=-1)
    return jnp.where(mask[..., None], out, 0.0)


_forward_jit = jax.jit(_forward)


def reference(cls0, box0, cls1, box1, cls2, box2, origin_shapes):
    return _forward_jit(cls0, box0, cls1, box1, cls2, box2, origin_shapes)

if __name__ == "__main__":
    import jax
    _d = setup_inputs()
    print(jax.jit(kernel)(*tuple(_d.values())))

</pallas_src>

<mosaic_0001>
module attributes {stable_mosaic.version = 14 : i64} {
  func.func @_nms_kernel(%arg0: i32, %arg1: memref<1x320x2432xf32, #tpu.memory_space<vmem>>, %arg2: memref<1x4x2432xf32, #tpu.memory_space<vmem>>, %arg3: memref<1x4x2432xf32, #tpu.memory_space<vmem>>, %arg4: memref<1x4x2432xf32, #tpu.memory_space<vmem>>, %arg5: memref<1x4x2432xf32, #tpu.memory_space<vmem>>, %arg6: memref<1x4x128x8xf32, #tpu.memory_space<vmem>>, %arg7: memref<320x2432xf32, #tpu.memory_space<vmem>>, %arg8: memref<320x128xf32, #tpu.memory_space<vmem>>, %arg9: memref<320x128xf32, #tpu.memory_space<vmem>>, %arg10: memref<320x128x8xf32, #tpu.memory_space<vmem>>, %arg11: memref<320x2432xf32, #tpu.memory_space<vmem>>, %arg12: memref<320x2432xf32, #tpu.memory_space<vmem>>, %arg13: memref<320x2432xf32, #tpu.memory_space<vmem>>, %arg14: memref<320x2432xf32, #tpu.memory_space<vmem>>, %arg15: memref<320x2432xf32, #tpu.memory_space<vmem>>) attributes {dimension_semantics = [#tpu.dimension_semantics<arbitrary>], iteration_bounds = array<i64: 4>, scalar_prefetch = 0 : i64, scratch_operands = 9 : i64, tpu.core_type = #tpu.core_type<tc>, window_params = [{transform_indices = @transform_0, window_bounds = array<i64: 1, 320, 2432>}, {transform_indices = @transform_1, window_bounds = array<i64: 1, 4, 2432>}, {transform_indices = @transform_2, window_bounds = array<i64: 1, 4, 2432>}, {transform_indices = @transform_3, window_bounds = array<i64: 1, 4, 2432>}, {transform_indices = @transform_4, window_bounds = array<i64: 1, 4, 2432>}, {transform_indices = @transform_5, window_bounds = array<i64: 1, 4, 128, 8>}]} {
    %get3A = arith.constant 0 : index
    %get3A_0 = arith.constant 0 : index
    %get3A_1 = arith.constant 0 : index
    %get3A_2 = vector.load %arg2[%get3A, %get3A_0, %get3A_1] : memref<1x4x2432xf32, #tpu.memory_space<vmem>>, vector<1x4x2432xf32>
    %get3A_3 = vector.shape_cast %get3A_2 : vector<1x4x2432xf32> to vector<4x2432xf32>
    %slice3A = vector.extract_strided_slice %get3A_3 {offsets = [0, 0], sizes = [1, 2432], strides = [1, 1]} : vector<4x2432xf32> to vector<1x2432xf32>
    %broadcast_in_dim3A = vector.shape_cast %slice3A : vector<1x2432xf32> to vector<1x2432xf32>
    %broadcast_in_dim3A_4 = vector.broadcast %broadcast_in_dim3A : vector<1x2432xf32> to vector<80x2432xf32>
    %slice3A_5 = vector.extract_strided_slice %get3A_3 {offsets = [1, 0], sizes = [1, 2432], strides = [1, 1]} : vector<4x2432xf32> to vector<1x2432xf32>
    %broadcast_in_dim3A_6 = vector.shape_cast %slice3A_5 : vector<1x2432xf32> to vector<1x2432xf32>
    %broadcast_in_dim3A_7 = vector.broadcast %broadcast_in_dim3A_6 : vector<1x2432xf32> to vector<80x2432xf32>
    %slice3A_8 = vector.extract_strided_slice %get3A_3 {offsets = [2, 0], sizes = [1, 2432], strides = [1, 1]} : vector<4x2432xf32> to vector<1x2432xf32>
    %broadcast_in_dim3A_9 = vector.shape_cast %slice3A_8 : vector<1x2432xf32> to vector<1x2432xf32>
    %broadcast_in_dim3A_10 = vector.broadcast %broadcast_in_dim3A_9 : vector<1x2432xf32> to vector<80x2432xf32>
    %slice3A_11 = vector.extract_strided_slice %get3A_3 {offsets = [3, 0], sizes = [1, 2432], strides = [1, 1]} : vector<4x2432xf32> to vector<1x2432xf32>
    %broadcast_in_dim3A_12 = vector.shape_cast %slice3A_11 : vector<1x2432xf32> to vector<1x2432xf32>
    %broadcast_in_dim3A_13 = vector.broadcast %broadcast_in_dim3A_12 : vector<1x2432xf32> to vector<80x2432xf32>
    %concatenate3A = tpu.concatenate %broadcast_in_dim3A_4, %broadcast_in_dim3A_7, %broadcast_in_dim3A_10, %broadcast_in_dim3A_13 in 0 : vector<80x2432xf32>, vector<80x2432xf32>, vector<80x2432xf32>, vector<80x2432xf32> -> vector<320x2432xf32>
    %swap3A = arith.constant 0 : index
    %swap3A_14 = arith.constant 0 : index
    %swap3A_15 = vector.load %arg11[%swap3A, %swap3A_14] : memref<320x2432xf32, #tpu.memory_space<vmem>>, vector<320x2432xf32>
    tpu.vector_store %arg11[%swap3A, %swap3A_14], %concatenate3A {strides = array<i32>} : memref<320x2432xf32, #tpu.memory_space<vmem>>, vector<320x2432xf32>,
    %get3A_16 = arith.constant 0 : index
    %get3A_17 = arith.constant 0 : index
    %get3A_18 = arith.constant 0 : index
    %get3A_19 = vector.load %arg3[%get3A_16, %get3A_17, %get3A_18] : memref<1x4x2432xf32, #tpu.memory_space<vmem>>, vector<1x4x2432xf32>
    %get3A_20 = vector.shape_cast %get3A_19 : vector<1x4x2432xf32> to vector<4x2432xf32>
    %slice3A_21 = vector.extract_strided_slice %get3A_20 {offsets = [0, 0], sizes = [1, 2432], strides = [1, 1]} : vector<4x2432xf32> to vector<1x2432xf32>
    %broadcast_in_dim3A_22 = vector.shape_cast %slice3A_21 : vector<1x2432xf32> to vector<1x2432xf32>
    %broadcast_in_dim3A_23 = vector.broadcast %broadcast_in_dim3A_22 : vector<1x2432xf32> to vector<80x2432xf32>
    %slice3A_24 = vector.extract_strided_slice %get3A_20 {offsets = [1, 0], sizes = [1, 2432], strides = [1, 1]} : vector<4x2432xf32> to vector<1x2432xf32>
    %broadcast_in_dim3A_25 = vector.shape_cast %slice3A_24 : vector<1x2432xf32> to vector<1x2432xf32>
    %broadcast_in_dim3A_26 = vector.broadcast %broadcast_in_dim3A_25 : vector<1x2432xf32> to vector<80x2432xf32>
    %slice3A_27 = vector.extract_strided_slice %get3A_20 {offsets = [2, 0], sizes = [1, 2432], strides = [1, 1]} : vector<4x2432xf32> to vector<1x2432xf32>
    %broadcast_in_dim3A_28 = vector.shape_cast %slice3A_27 : vector<1x2432xf32> to vector<1x2432xf32>
    %broadcast_in_dim3A_29 = vector.broadcast %broadcast_in_dim3A_28 : vector<1x2432xf32> to vector<80x2432xf32>
    %slice3A_30 = vector.extract_strided_slice %get3A_20 {offsets = [3, 0], sizes = [1, 2432], strides = [1, 1]} : vector<4x2432xf32> to vector<1x2432xf32>
    %broadcast_in_dim3A_31 = vector.shape_cast %slice3A_30 : vector<1x2432xf32> to vector<1x2432xf32>
    %broadcast_in_dim3A_32 = vector.broadcast %broadcast_in_dim3A_31 : vector<1x2432xf32> to vector<80x2432xf32>
    %concatenate3A_33 = tpu.concatenate %broadcast_in_dim3A_23, %broadcast_in_dim3A_26, %broadcast_in_dim3A_29, %broadcast_in_dim3A_32 in 0 : vector<80x2432xf32>, vector<80x2432xf32>, vector<80x2432xf32>, vector<80x2432xf32> -> vector<320x2432xf32>
    %swap3A_34 = arith.constant 0 : index
    %swap3A_35 = arith.constant 0 : index
    %swap3A_36 = vector.load %arg12[%swap3A_34, %swap3A_35] : memref<320x2432xf32, #tpu.memory_space<vmem>>, vector<320x2432xf32>
    tpu.vector_store %arg12[%swap3A_34, %swap3A_35], %concatenate3A_33 {strides = array<i32>} : memref<320x2432xf32, #tpu.memory_space<vmem>>, vector<320x2432xf32>,
    %get3A_37 = arith.constant 0 : index
    %get3A_38 = arith.constant 0 : index
    %get3A_39 = arith.constant 0 : index
    %get3A_40 = vector.load %arg4[%get3A_37, %get3A_38, %get3A_39] : memref<1x4x2432xf32, #tpu.memory_space<vmem>>, vector<1x4x2432xf32>
    %get3A_41 = vector.shape_cast %get3A_40 : vector<1x4x2432xf32> to vector<4x2432xf32>
    %slice3A_42 = vector.extract_strided_slice %get3A_41 {offsets = [0, 0], sizes = [1, 2432], strides = [1, 1]} : vector<4x2432xf32> to vector<1x2432xf32>
    %broadcast_in_dim3A_43 = vector.shape_cast %slice3A_42 : vector<1x2432xf32> to vector<1x2432xf32>
    %broadcast_in_dim3A_44 = vector.broadcast %broadcast_in_dim3A_43 : vector<1x2432xf32> to vector<80x2432xf32>
    %slice3A_45 = vector.extract_strided_slice %get3A_41 {offsets = [1, 0], sizes = [1, 2432], strides = [1, 1]} : vector<4x2432xf32> to vector<1x2432xf32>
    %broadcast_in_dim3A_46 = vector.shape_cast %slice3A_45 : vector<1x2432xf32> to vector<1x2432xf32>
    %broadcast_in_dim3A_47 = vector.broadcast %broadcast_in_dim3A_46 : vector<1x2432xf32> to vector<80x2432xf32>
    %slice3A_48 = vector.extract_strided_slice %get3A_41 {offsets = [2, 0], sizes = [1, 2432], strides = [1, 1]} : vector<4x2432xf32> to vector<1x2432xf32>
    %broadcast_in_dim3A_49 = vector.shape_cast %slice3A_48 : vector<1x2432xf32> to vector<1x2432xf32>
    %broadcast_in_dim3A_50 = vector.broadcast %broadcast_in_dim3A_49 : vector<1x2432xf32> to vector<80x2432xf32>
    %slice3A_51 = vector.extract_strided_slice %get3A_41 {offsets = [3, 0], sizes = [1, 2432], strides = [1, 1]} : vector<4x2432xf32> to vector<1x2432xf32>
    %broadcast_in_dim3A_52 = vector.shape_cast %slice3A_51 : vector<1x2432xf32> to vector<1x2432xf32>
    %broadcast_in_dim3A_53 = vector.broadcast %broadcast_in_dim3A_52 : vector<1x2432xf32> to vector<80x2432xf32>
    %concatenate3A_54 = tpu.concatenate %broadcast_in_dim3A_44, %broadcast_in_dim3A_47, %broadcast_in_dim3A_50, %broadcast_in_dim3A_53 in 0 : vector<80x2432xf32>, vector<80x2432xf32>, vector<80x2432xf32>, vector<80x2432xf32> -> vector<320x2432xf32>
    %swap3A_55 = arith.constant 0 : index
    %swap3A_56 = arith.constant 0 : index
    %swap3A_57 = vector.load %arg13[%swap3A_55, %swap3A_56] : memref<320x2432xf32, #tpu.memory_space<vmem>>, vector<320x2432xf32>
    tpu.vector_store %arg13[%swap3A_55, %swap3A_56], %concatenate3A_54 {strides = array<i32>} : memref<320x2432xf32, #tpu.memory_space<vmem>>, vector<320x2432xf32>,
    %get3A_58 = arith.constant 0 : index
    %get3A_59 = arith.constant 0 : index
    %get3A_60 = arith.constant 0 : index
    %get3A_61 = vector.load %arg5[%get3A_58, %get3A_59, %get3A_60] : memref<1x4x2432xf32, #tpu.memory_space<vmem>>, vector<1x4x2432xf32>
    %get3A_62 = vector.shape_cast %get3A_61 : vector<1x4x2432xf32> to vector<4x2432xf32>
    %slice3A_63 = vector.extract_strided_slice %get3A_62 {offsets = [0, 0], sizes = [1, 2432], strides = [1, 1]} : vector<4x2432xf32> to vector<1x2432xf32>
    %broadcast_in_dim3A_64 = vector.shape_cast %slice3A_63 : vector<1x2432xf32> to vector<1x2432xf32>
    %broadcast_in_dim3A_65 = vector.broadcast %broadcast_in_dim3A_64 : vector<1x2432xf32> to vector<80x2432xf32>
    %slice3A_66 = vector.extract_strided_slice %get3A_62 {offsets = [1, 0], sizes = [1, 2432], strides = [1, 1]} : vector<4x2432xf32> to vector<1x2432xf32>
    %broadcast_in_dim3A_67 = vector.shape_cast %slice3A_66 : vector<1x2432xf32> to vector<1x2432xf32>
    %broadcast_in_dim3A_68 = vector.broadcast %broadcast_in_dim3A_67 : vector<1x2432xf32> to vector<80x2432xf32>
    %slice3A_69 = vector.extract_strided_slice %get3A_62 {offsets = [2, 0], sizes = [1, 2432], strides = [1, 1]} : vector<4x2432xf32> to vector<1x2432xf32>
    %broadcast_in_dim3A_70 = vector.shape_cast %slice3A_69 : vector<1x2432xf32> to vector<1x2432xf32>
    %broadcast_in_dim3A_71 = vector.broadcast %broadcast_in_dim3A_70 : vector<1x2432xf32> to vector<80x2432xf32>
    %slice3A_72 = vector.extract_strided_slice %get3A_62 {offsets = [3, 0], sizes = [1, 2432], strides = [1, 1]} : vector<4x2432xf32> to vector<1x2432xf32>
    %broadcast_in_dim3A_73 = vector.shape_cast %slice3A_72 : vector<1x2432xf32> to vector<1x2432xf32>
    %broadcast_in_dim3A_74 = vector.broadcast %broadcast_in_dim3A_73 : vector<1x2432xf32> to vector<80x2432xf32>
    %concatenate3A_75 = tpu.concatenate %broadcast_in_dim3A_65, %broadcast_in_dim3A_68, %broadcast_in_dim3A_71, %broadcast_in_dim3A_74 in 0 : vector<80x2432xf32>, vector<80x2432xf32>, vector<80x2432xf32>, vector<80x2432xf32> -> vector<320x2432xf32>
    %swap3A_76 = arith.constant 0 : index
    %swap3A_77 = arith.constant 0 : index
    %swap3A_78 = vector.load %arg14[%swap3A_76, %swap3A_77] : memref<320x2432xf32, #tpu.memory_space<vmem>>, vector<320x2432xf32>
    tpu.vector_store %arg14[%swap3A_76, %swap3A_77], %concatenate3A_75 {strides = array<i32>} : memref<320x2432xf32, #tpu.memory_space<vmem>>, vector<320x2432xf32>,
    %get3A_79 = arith.constant 0 : index
    %get3A_80 = arith.constant 0 : index
    %get3A_81 = vector.load %arg11[%get3A_79, %get3A_80] : memref<320x2432xf32, #tpu.memory_space<vmem>>, vector<320x2432xf32>
    %get3A_82 = arith.constant 0 : index
    %get3A_83 = arith.constant 0 : index
    %get3A_84 = vector.load %arg12[%get3A_82, %get3A_83] : memref<320x2432xf32, #tpu.memory_space<vmem>>, vector<320x2432xf32>
    %get3A_85 = arith.constant 0 : index
    %get3A_86 = arith.constant 0 : index
    %get3A_87 = vector.load %arg13[%get3A_85, %get3A_86] : memref<320x2432xf32, #tpu.memory_space<vmem>>, vector<320x2432xf32>
    %get3A_88 = arith.constant 0 : index
    %get3A_89 = arith.constant 0 : index
    %get3A_90 = vector.load %arg14[%get3A_88, %get3A_89] : memref<320x2432xf32, #tpu.memory_space<vmem>>, vector<320x2432xf32>
    %sub3A = arith.subf %get3A_87, %get3A_81 : vector<320x2432xf32>
    %max3A = arith.constant 0.000000e+00 : f32
    %max3A_91 = vector.broadcast %max3A : f32 to vector<320x2432xf32>
    %max3A_92 = arith.maximumf %sub3A, %max3A_91 : vector<320x2432xf32>
    %sub3A_93 = arith.subf %get3A_90, %get3A_84 : vector<320x2432xf32>
    %max3A_94 = arith.constant 0.000000e+00 : f32
    %max3A_95 = vector.broadcast %max3A_94 : f32 to vector<320x2432xf32>
    %max3A_96 = arith.maximumf %sub3A_93, %max3A_95 : vector<320x2432xf32>
    %mul3A = arith.mulf %max3A_92, %max3A_96 : vector<320x2432xf32>
    %swap3A_97 = arith.constant 0 : index
    %swap3A_98 = arith.constant 0 : index
    %swap3A_99 = vector.load %arg15[%swap3A_97, %swap3A_98] : memref<320x2432xf32, #tpu.memory_space<vmem>>, vector<320x2432xf32>
    tpu.vector_store %arg15[%swap3A_97, %swap3A_98], %mul3A {strides = array<i32>} : memref<320x2432xf32, #tpu.memory_space<vmem>>, vector<320x2432xf32>,
    %get3A_100 = arith.constant 0 : index
    %get3A_101 = arith.constant 0 : index
    %get3A_102 = vector.load %arg15[%get3A_100, %get3A_101] : memref<320x2432xf32, #tpu.memory_space<vmem>>, vector<320x2432xf32>
    %get3A_103 = arith.constant 0 : index
    %get3A_104 = arith.constant 0 : index
    %get3A_105 = arith.constant 0 : index
    %get3A_106 = vector.load %arg1[%get3A_103, %get3A_104, %get3A_105] : memref<1x320x2432xf32, #tpu.memory_space<vmem>>, vector<1x320x2432xf32>
    %get3A_107 = vector.shape_cast %get3A_106 : vector<1x320x2432xf32> to vector<320x2432xf32>
    %swap3A_108 = arith.constant 0 : index
    %swap3A_109 = arith.constant 0 : index
    %swap3A_110 = vector.load %arg7[%swap3A_108, %swap3A_109] : memref<320x2432xf32, #tpu.memory_space<vmem>>, vector<320x2432xf32>
    tpu.vector_store %arg7[%swap3A_108, %swap3A_109], %get3A_107 {strides = array<i32>} : memref<320x2432xf32, #tpu.memory_space<vmem>>, vector<320x2432xf32>,
    %broadcast_in_dim3A_111 = arith.constant 0xFF800000 : f32
    %broadcast_in_dim3A_112 = vector.broadcast %broadcast_in_dim3A_111 : f32 to vector<320x128xf32>
    %swap3A_113 = arith.constant 0 : index
    %swap3A_114 = arith.constant 0 : index
    %swap3A_115 = vector.load %arg9[%swap3A_113, %swap3A_114] : memref<320x128xf32, #tpu.memory_space<vmem>>, vector<320x128xf32>
    tpu.vector_store %arg9[%swap3A_113, %swap3A_114], %broadcast_in_dim3A_112 {strides = array<i32>} : memref<320x128xf32, #tpu.memory_space<vmem>>, vector<320x128xf32>,
    %iota3A = tpu.iota {dimensions = array<i32: 1>} : vector<320x2432xi32>
    %iota3A_116 = tpu.iota {dimensions = array<i32: 1>} : vector<320x128xi32>
    %broadcast_in_dim3A_117 = arith.constant 0.000000e+00 : f32
    %broadcast_in_dim3A_118 = vector.broadcast %broadcast_in_dim3A_117 : f32 to vector<320x4xf32>
    %scan3A = arith.constant 0 : i32
    %scan3A_119 = arith.constant 100 : i32
    %scan3A_120 = arith.addi %scan3A, %scan3A_119 : i32
    %scan3A_121 = arith.constant 1 : i32
    scf.for %scan3A_154 = %scan3A to %scan3A_120 step %scan3A_121  : i32 {
      %get3A_155 = arith.constant 0 : index
      %get3A_156 = arith.constant 0 : index
      %get3A_157 = vector.load %arg7[%get3A_155, %get3A_156] : memref<320x2432xf32, #tpu.memory_space<vmem>>, vector<320x2432xf32>
      %reduce_max3A = arith.constant dense<0xFF800000> : vector<320xf32>
      %reduce_max3A_158 = vector.multi_reduction <maximumf>, %get3A_157, %reduce_max3A [1] : vector<320x2432xf32> to vector<320xf32>
      %broadcast_in_dim3A_159 = vector.shape_cast %reduce_max3A_158 : vector<320xf32> to vector<320x1xf32>
      %eq3A = vector.broadcast %broadcast_in_dim3A_159 : vector<320x1xf32> to vector<320x2432xf32>
      %eq3A_160 = arith.cmpf oeq, %get3A_157, %eq3A : vector<320x2432xf32>
      %jit3A_161 = arith.constant 2432 : i32
      %broadcast_in_dim3A_162 = vector.broadcast %jit3A_161 : i32 to vector<320x2432xi32>
      %select_n3A_163 = arith.select %eq3A_160, %iota3A, %broadcast_in_dim3A_162 : vector<320x2432xi1>, vector<320x2432xi32>
      %reduce_min3A = arith.constant dense<2147483647> : vector<320xi32>
      %reduce_min3A_164 = vector.multi_reduction <minsi>, %select_n3A_163, %reduce_min3A [1] : vector<320x2432xi32> to vector<320xi32>
      %broadcast_in_dim3A_165 = vector.shape_cast %reduce_min3A_164 : vector<320xi32> to vector<320x1xi32>
      %eq3A_166 = vector.broadcast %broadcast_in_dim3A_165 : vector<320x1xi32> to vector<320x2432xi32>
      %eq3A_167 = arith.cmpi eq, %iota3A, %eq3A_166 : vector<320x2432xi32>
      %jit3A_168 = arith.constant -1.000000e+00 : f32
      %broadcast_in_dim3A_169 = vector.broadcast %jit3A_168 : f32 to vector<320x2432xf32>
      %select_n3A_170 = arith.select %eq3A_167, %get3A_81, %broadcast_in_dim3A_169 : vector<320x2432xi1>, vector<320x2432xf32>
      %reduce_max3A_171 = arith.constant dense<0xFF800000> : vector<320xf32>
      %reduce_max3A_172 = vector.multi_reduction <maximumf>, %select_n3A_170, %reduce_max3A_171 [1] : vector<320x2432xf32> to vector<320xf32>
      %broadcast_in_dim3A_173 = vector.shape_cast %reduce_max3A_172 : vector<320xf32> to vector<320x1xf32>
      %jit3A_174 = arith.constant -1.000000e+00 : f32
      %broadcast_in_dim3A_175 = vector.broadcast %jit3A_174 : f32 to vector<320x2432xf32>
      %select_n3A_176 = arith.select %eq3A_167, %get3A_84, %broadcast_in_dim3A_175 : vector<320x2432xi1>, vector<320x2432xf32>
      %reduce_max3A_177 = arith.constant dense<0xFF800000> : vector<320xf32>
      %reduce_max3A_178 = vector.multi_reduction <maximumf>, %select_n3A_176, %reduce_max3A_177 [1] : vector<320x2432xf32> to vector<320xf32>
      %broadcast_in_dim3A_179 = vector.shape_cast %reduce_max3A_178 : vector<320xf32> to vector<320x1xf32>
      %jit3A_180 = arith.constant -1.000000e+00 : f32
      %broadcast_in_dim3A_181 = vector.broadcast %jit3A_180 : f32 to vector<320x2432xf32>
      %select_n3A_182 = arith.select %eq3A_167, %get3A_87, %broadcast_in_dim3A_181 : vector<320x2432xi1>, vector<320x2432xf32>
      %reduce_max3A_183 = arith.constant dense<0xFF800000> : vector<320xf32>
      %reduce_max3A_184 = vector.multi_reduction <maximumf>, %select_n3A_182, %reduce_max3A_183 [1] : vector<320x2432xf32> to vector<320xf32>
      %broadcast_in_dim3A_185 = vector.shape_cast %reduce_max3A_184 : vector<320xf32> to vector<320x1xf32>
      %jit3A_186 = arith.constant -1.000000e+00 : f32
      %broadcast_in_dim3A_187 = vector.broadcast %jit3A_186 : f32 to vector<320x2432xf32>
      %select_n3A_188 = arith.select %eq3A_167, %get3A_90, %broadcast_in_dim3A_187 : vector<320x2432xi1>, vector<320x2432xf32>
      %reduce_max3A_189 = arith.constant dense<0xFF800000> : vector<320xf32>
      %reduce_max3A_190 = vector.multi_reduction <maximumf>, %select_n3A_188, %reduce_max3A_189 [1] : vector<320x2432xf32> to vector<320xf32>
      %broadcast_in_dim3A_191 = vector.shape_cast %reduce_max3A_190 : vector<320xf32> to vector<320x1xf32>
      %max3A_192 = vector.broadcast %broadcast_in_dim3A_173 : vector<320x1xf32> to vector<320x2432xf32>
      %max3A_193 = arith.maximumf %max3A_192, %get3A_81 : vector<320x2432xf32>
      %max3A_194 = vector.broadcast %broadcast_in_dim3A_179 : vector<320x1xf32> to vector<320x2432xf32>
      %max3A_195 = arith.maximumf %max3A_194, %get3A_84 : vector<320x2432xf32>
      %min3A = vector.broadcast %broadcast_in_dim3A_185 : vector<320x1xf32> to vector<320x2432xf32>
      %min3A_196 = arith.minimumf %min3A, %get3A_87 : vector<320x2432xf32>
      %min3A_197 = vector.broadcast %broadcast_in_dim3A_191 : vector<320x1xf32> to vector<320x2432xf32>
      %min3A_198 = arith.minimumf %min3A_197, %get3A_90 : vector<320x2432xf32>
      %sub3A_199 = arith.subf %min3A_196, %max3A_193 : vector<320x2432xf32>
      %max3A_200 = arith.constant 0.000000e+00 : f32
      %max3A_201 = vector.broadcast %max3A_200 : f32 to vector<320x2432xf32>
      %max3A_202 = arith.maximumf %sub3A_199, %max3A_201 : vector<320x2432xf32>
      %sub3A_203 = arith.subf %min3A_198, %max3A_195 : vector<320x2432xf32>
      %max3A_204 = arith.constant 0.000000e+00 : f32
      %max3A_205 = vector.broadcast %max3A_204 : f32 to vector<320x2432xf32>
      %max3A_206 = arith.maximumf %sub3A_203, %max3A_205 : vector<320x2432xf32>
      %mul3A_207 = arith.mulf %max3A_202, %max3A_206 : vector<320x2432xf32>
      %sub3A_208 = arith.subf %broadcast_in_dim3A_185, %broadcast_in_dim3A_173 : vector<320x1xf32>
      %max3A_209 = arith.constant 0.000000e+00 : f32
      %max3A_210 = vector.broadcast %max3A_209 : f32 to vector<320x1xf32>
      %max3A_211 = arith.maximumf %sub3A_208, %max3A_210 : vector<320x1xf32>
      %sub3A_212 = arith.subf %broadcast_in_dim3A_191, %broadcast_in_dim3A_179 : vector<320x1xf32>
      %max3A_213 = arith.constant 0.000000e+00 : f32
      %max3A_214 = vector.broadcast %max3A_213 : f32 to vector<320x1xf32>
      %max3A_215 = arith.maximumf %sub3A_212, %max3A_214 : vector<320x1xf32>
      %mul3A_216 = arith.mulf %max3A_211, %max3A_215 : vector<320x1xf32>
      %add3A = vector.broadcast %mul3A_216 : vector<320x1xf32> to vector<320x2432xf32>
      %add3A_217 = arith.addf %add3A, %get3A_102 : vector<320x2432xf32>
      %sub3A_218 = arith.subf %add3A_217, %mul3A_207 : vector<320x2432xf32>
      %add3A_219 = arith.constant 9.99999971E-10 : f32
      %add3A_220 = vector.broadcast %add3A_219 : f32 to vector<320x2432xf32>
      %add3A_221 = arith.addf %sub3A_218, %add3A_220 : vector<320x2432xf32>
      %div3A = arith.divf %mul3A_207, %add3A_221 : vector<320x2432xf32>
      %gt3A = arith.constant 5.000000e-01 : f32
      %gt3A_222 = vector.broadcast %gt3A : f32 to vector<320x2432xf32>
      %gt3A_223 = arith.cmpf ogt, %div3A, %gt3A_222 : vector<320x2432xf32>
      %jit3A_224 = arith.constant 0xFF800000 : f32
      %broadcast_in_dim3A_225 = vector.broadcast %jit3A_224 : f32 to vector<320x2432xf32>
      %select_n3A_226 = arith.select %gt3A_223, %broadcast_in_dim3A_225, %get3A_157 : vector<320x2432xi1>, vector<320x2432xf32>
      %swap3A_227 = arith.constant 0 : index
      %swap3A_228 = arith.constant 0 : index
      %swap3A_229 = vector.load %arg7[%swap3A_227, %swap3A_228] : memref<320x2432xf32, #tpu.memory_space<vmem>>, vector<320x2432xf32>
      tpu.vector_store %arg7[%swap3A_227, %swap3A_228], %select_n3A_226 {strides = array<i32>} : memref<320x2432xf32, #tpu.memory_space<vmem>>, vector<320x2432xf32>,
      %eq3A_230 = vector.broadcast %scan3A_154 : i32 to vector<320x128xi32>
      %eq3A_231 = arith.cmpi eq, %iota3A_116, %eq3A_230 : vector<320x128xi32>
      %get3A_232 = arith.constant 0 : index
      %get3A_233 = arith.constant 0 : index
      %get3A_234 = vector.load %arg9[%get3A_232, %get3A_233] : memref<320x128xf32, #tpu.memory_space<vmem>>, vector<320x128xf32>
      %broadcast_in_dim3A_235 = vector.shape_cast %broadcast_in_dim3A_159 : vector<320x1xf32> to vector<320x1xf32>
      %broadcast_in_dim3A_236 = vector.broadcast %broadcast_in_dim3A_235 : vector<320x1xf32> to vector<320x128xf32>
      %select_n3A_237 = arith.select %eq3A_231, %broadcast_in_dim3A_236, %get3A_234 : vector<320x128xi1>, vector<320x128xf32>
      %swap3A_238 = arith.constant 0 : index
      %swap3A_239 = arith.constant 0 : index
      %swap3A_240 = vector.load %arg9[%swap3A_238, %swap3A_239] : memref<320x128xf32, #tpu.memory_space<vmem>>, vector<320x128xf32>
      tpu.vector_store %arg9[%swap3A_238, %swap3A_239], %select_n3A_237 {strides = array<i32>} : memref<320x128xf32, #tpu.memory_space<vmem>>, vector<320x128xf32>,
      %concatenate3A_241 = tpu.concatenate %broadcast_in_dim3A_173, %broadcast_in_dim3A_179, %broadcast_in_dim3A_185, %broadcast_in_dim3A_191, %broadcast_in_dim3A_118 in 1 : vector<320x1xf32>, vector<320x1xf32>, vector<320x1xf32>, vector<320x1xf32>, vector<320x4xf32> -> vector<320x8xf32>
      %broadcast_in_dim3A_242 = vector.shape_cast %concatenate3A_241 : vector<320x8xf32> to vector<320x1x8xf32>
      %swap3A_243 = arith.constant 0 : index
      %swap3A_244 = arith.index_cast %scan3A_154 : i32 to index
      %swap3A_245 = arith.constant 0 : index
      %swap3A_246 = vector.load %arg10[%swap3A_243, %swap3A_244, %swap3A_245] : memref<320x128x8xf32, #tpu.memory_space<vmem>>, vector<320x1x8xf32>
      tpu.vector_store %arg10[%swap3A_243, %swap3A_244, %swap3A_245], %broadcast_in_dim3A_242 {strides = array<i32>} : memref<320x128x8xf32, #tpu.memory_space<vmem>>, vector<320x1x8xf32>,
    }
    %scan3A_122 = arith.constant 100 : i32
    %get3A_123 = arith.constant 0 : index
    %get3A_124 = arith.constant 0 : index
    %get3A_125 = vector.load %arg9[%get3A_123, %get3A_124] : memref<320x128xf32, #tpu.memory_space<vmem>>, vector<320x128xf32>
    %is_finite3A = tpu.weird %get3A_125 : vector<320x128xf32> -> vector<320x128xi1>
    %is_finite3A_126 = arith.constant dense<true> : vector<320x128xi1>
    %is_finite3A_127 = arith.xori %is_finite3A, %is_finite3A_126 : vector<320x128xi1>
    %jit3A = arith.constant 0.000000e+00 : f32
    %broadcast_in_dim3A_128 = vector.broadcast %jit3A : f32 to vector<320x128xf32>
    %select_n3A = arith.select %is_finite3A_127, %get3A_125, %broadcast_in_dim3A_128 : vector<320x128xi1>, vector<320x128xf32>
    %lt3A = arith.constant 100 : i32
    %lt3A_129 = vector.broadcast %lt3A : i32 to vector<320x128xi32>
    %lt3A_130 = arith.cmpi slt, %iota3A_116, %lt3A_129 : vector<320x128xi32>
    %jit3A_131 = arith.constant 0xFF800000 : f32
    %broadcast_in_dim3A_132 = vector.broadcast %jit3A_131 : f32 to vector<320x128xf32>
    %select_n3A_133 = arith.select %lt3A_130, %select_n3A, %broadcast_in_dim3A_132 : vector<320x128xi1>, vector<320x128xf32>
    %swap3A_134 = arith.constant 0 : index
    %swap3A_135 = arith.constant 0 : index
    %swap3A_136 = vector.load %arg8[%swap3A_134, %swap3A_135] : memref<320x128xf32, #tpu.memory_space<vmem>>, vector<320x128xf32>
    tpu.vector_store %arg8[%swap3A_134, %swap3A_135], %select_n3A_133 {strides = array<i32>} : memref<320x128xf32, #tpu.memory_space<vmem>>, vector<320x128xf32>,
    %iota3A_137 = tpu.iota {dimensions = array<i32: 0>} : vector<80x1xi32>
    %iota3A_138 = tpu.iota {dimensions = array<i32: 0>} : vector<80x128xi32>
    %iota3A_139 = tpu.iota {dimensions = array<i32: 1>} : vector<80x128xi32>
    %iota3A_140 = tpu.iota {dimensions = array<i32: 1>} : vector<1x8xi32>
    %get3A_141 = arith.constant 0 : index
    %get3A_142 = arith.constant 0 : index
    %get3A_143 = vector.load %arg8[%get3A_141, %get3A_142] : memref<320x128xf32, #tpu.memory_space<vmem>>, vector<320x128xf32>
    %slice3A_144 = vector.extract_strided_slice %get3A_143 {offsets = [0, 0], sizes = [80, 128], strides = [1, 1]} : vector<320x128xf32> to vector<80x128xf32>
    %slice3A_145 = vector.extract_strided_slice %get3A_143 {offsets = [80, 0], sizes = [80, 128], strides = [1, 1]} : vector<320x128xf32> to vector<80x128xf32>
    %slice3A_146 = vector.extract_strided_slice %get3A_143 {offsets = [160, 0], sizes = [80, 128], strides = [1, 1]} : vector<320x128xf32> to vector<80x128xf32>
    %slice3A_147 = vector.extract_strided_slice %get3A_143 {offsets = [240, 0], sizes = [80, 128], strides = [1, 1]} : vector<320x128xf32> to vector<80x128xf32>
    %scan3A_148 = arith.constant 0 : i32
    %scan3A_149 = arith.constant 100 : i32
    %scan3A_150 = arith.addi %scan3A_148, %scan3A_149 : i32
    %scan3A_151 = arith.constant 1 : i32
    %scan3A_152:4 = scf.for %scan3A_154 = %scan3A_148 to %scan3A_150 step %scan3A_151 iter_args(%scan3A_155 = %slice3A_144, %scan3A_156 = %slice3A_145, %scan3A_157 = %slice3A_146, %scan3A_158 = %slice3A_147) -> (vector<80x128xf32>, vector<80x128xf32>, vector<80x128xf32>, vector<80x128xf32>)  : i32 {
      %reduce_max3A = arith.constant dense<0xFF800000> : vector<80xf32>
      %reduce_max3A_159 = vector.multi_reduction <maximumf>, %scan3A_155, %reduce_max3A [1] : vector<80x128xf32> to vector<80xf32>
      %broadcast_in_dim3A_160 = vector.shape_cast %reduce_max3A_159 : vector<80xf32> to vector<80x1xf32>
      %eq3A = vector.broadcast %broadcast_in_dim3A_160 : vector<80x1xf32> to vector<80x128xf32>
      %eq3A_161 = arith.cmpf oeq, %scan3A_155, %eq3A : vector<80x128xf32>
      %jit3A_162 = arith.constant 128 : i32
      %broadcast_in_dim3A_163 = vector.broadcast %jit3A_162 : i32 to vector<80x128xi32>
      %select_n3A_164 = arith.select %eq3A_161, %iota3A_139, %broadcast_in_dim3A_163 : vector<80x128xi1>, vector<80x128xi32>
      %reduce_min3A = arith.constant dense<2147483647> : vector<80xi32>
      %reduce_min3A_165 = vector.multi_reduction <minsi>, %select_n3A_164, %reduce_min3A [1] : vector<80x128xi32> to vector<80xi32>
      %broadcast_in_dim3A_166 = vector.shape_cast %reduce_min3A_165 : vector<80xi32> to vector<80x1xi32>
      %reduce_max3A_167 = vector.shape_cast %broadcast_in_dim3A_160 : vector<80x1xf32> to vector<1x80x1xf32>
      %reduce_max3A_168 = arith.constant dense<0xFF800000> : vector<1xf32>
      %reduce_max3A_169 = vector.multi_reduction <maximumf>, %reduce_max3A_167, %reduce_max3A_168 [1, 2] : vector<1x80x1xf32> to vector<1xf32>
      %reduce_max3A_170 = vector.shape_cast %reduce_max3A_169 : vector<1xf32> to vector<1x1x1xf32>
      %reduce_max3A_171 = vector.extract %reduce_max3A_170[0, 0, 0] : f32 from vector<1x1x1xf32>
      %eq3A_172 = vector.broadcast %reduce_max3A_171 : f32 to vector<80x1xf32>
      %eq3A_173 = arith.cmpf oeq, %broadcast_in_dim3A_160, %eq3A_172 : vector<80x1xf32>
      %jit3A_174 = arith.constant 80 : i32
      %broadcast_in_dim3A_175 = vector.broadcast %jit3A_174 : i32 to vector<80x1xi32>
      %select_n3A_176 = arith.select %eq3A_173, %iota3A_137, %broadcast_in_dim3A_175 : vector<80x1xi1>, vector<80x1xi32>
      %reduce_min3A_177 = vector.shape_cast %select_n3A_176 : vector<80x1xi32> to vector<1x80x1xi32>
      %reduce_min3A_178 = arith.constant dense<2147483647> : vector<1xi32>
      %reduce_min3A_179 = vector.multi_reduction <minsi>, %reduce_min3A_177, %reduce_min3A_178 [1, 2] : vector<1x80x1xi32> to vector<1xi32>
      %reduce_min3A_180 = vector.shape_cast %reduce_min3A_179 : vector<1xi32> to vector<1x1x1xi32>
      %reduce_min3A_181 = vector.extract %reduce_min3A_180[0, 0, 0] : i32 from vector<1x1x1xi32>
      %eq3A_182 = vector.broadcast %reduce_min3A_181 : i32 to vector<80x1xi32>
      %eq3A_183 = arith.cmpi eq, %iota3A_137, %eq3A_182 : vector<80x1xi32>
      %jit3A_184 = arith.constant 128 : i32
      %broadcast_in_dim3A_185 = vector.broadcast %jit3A_184 : i32 to vector<80x1xi32>
      %select_n3A_186 = arith.select %eq3A_183, %broadcast_in_dim3A_166, %broadcast_in_dim3A_185 : vector<80x1xi1>, vector<80x1xi32>
      %reduce_min3A_187 = vector.shape_cast %select_n3A_186 : vector<80x1xi32> to vector<1x80x1xi32>
      %reduce_min3A_188 = arith.constant dense<2147483647> : vector<1xi32>
      %reduce_min3A_189 = vector.multi_reduction <minsi>, %reduce_min3A_187, %reduce_min3A_188 [1, 2] : vector<1x80x1xi32> to vector<1xi32>
      %reduce_min3A_190 = vector.shape_cast %reduce_min3A_189 : vector<1xi32> to vector<1x1x1xi32>
      %reduce_min3A_191 = vector.extract %reduce_min3A_190[0, 0, 0] : i32 from vector<1x1x1xi32>
      %eq3A_192 = vector.broadcast %reduce_min3A_181 : i32 to vector<80x128xi32>
      %eq3A_193 = arith.cmpi eq, %iota3A_138, %eq3A_192 : vector<80x128xi32>
      %eq3A_194 = vector.broadcast %reduce_min3A_191 : i32 to vector<80x128xi32>
      %eq3A_195 = arith.cmpi eq, %iota3A_139, %eq3A_194 : vector<80x128xi32>
      %and3A = arith.andi %eq3A_193, %eq3A_195 : vector<80x128xi1>
      %jit3A_196 = arith.constant 0xFF800000 : f32
      %broadcast_in_dim3A_197 = vector.broadcast %jit3A_196 : f32 to vector<80x128xf32>
      %select_n3A_198 = arith.select %and3A, %broadcast_in_dim3A_197, %scan3A_155 : vector<80x128xi1>, vector<80x128xf32>
      %add3A = arith.constant 0 : i32
      %add3A_199 = arith.addi %reduce_min3A_181, %add3A : i32
      %get3A_200 = arith.index_cast %add3A_199 : i32 to index
      %get3A_201 = arith.index_cast %reduce_min3A_191 : i32 to index
      %get3A_202 = arith.constant 0 : index
      %get3A_203 = vector.load %arg10[%get3A_200, %get3A_201, %get3A_202] : memref<320x128x8xf32, #tpu.memory_space<vmem>>, vector<1x1x8xf32>
      %squeeze3A = vector.shape_cast %get3A_203 : vector<1x1x8xf32> to vector<1x8xf32>
      %eq3A_204 = arith.constant 4 : i32
      %eq3A_205 = vector.broadcast %eq3A_204 : i32 to vector<1x8xi32>
      %eq3A_206 = arith.cmpi eq, %iota3A_140, %eq3A_205 : vector<1x8xi32>
      %broadcast_in_dim3A_207 = vector.broadcast %reduce_max3A_171 : f32 to vector<1x8xf32>
      %select_n3A_208 = arith.select %eq3A_206, %broadcast_in_dim3A_207, %squeeze3A : vector<1x8xi1>, vector<1x8xf32>
      %eq3A_209 = arith.constant 5 : i32
      %eq3A_210 = vector.broadcast %eq3A_209 : i32 to vector<1x8xi32>
      %eq3A_211 = arith.cmpi eq, %iota3A_140, %eq3A_210 : vector<1x8xi32>
      %convert_element_type3A = arith.sitofp %reduce_min3A_181 : i32 to f32
      %broadcast_in_dim3A_212 = vector.broadcast %convert_element_type3A : f32 to vector<1x8xf32>
      %select_n3A_213 = arith.select %eq3A_211, %broadcast_in_dim3A_212, %select_n3A_208 : vector<1x8xi1>, vector<1x8xf32>
      %gt3A = arith.constant 3.000000e-01 : f32
      %gt3A_214 = arith.cmpf ogt, %reduce_max3A_171, %gt3A : f32
      %jit3A_215 = arith.constant 0.000000e+00 : f32
      %broadcast_in_dim3A_216 = vector.broadcast %jit3A_215 : f32 to vector<1x8xf32>
      %select_n3A_217 = arith.select %gt3A_214, %select_n3A_213, %broadcast_in_dim3A_216 : vector<1x8xf32>
      %swap3A_218 = arith.constant 0 : index
      %swap3A_219 = arith.constant 0 : index
      %swap3A_220 = arith.index_cast %scan3A_154 : i32 to index
      %swap3A_221 = arith.constant 0 : index
      %swap3A_222 = vector.load %arg6[%swap3A_218, %swap3A_219, %swap3A_220, %swap3A_221] : memref<1x4x128x8xf32, #tpu.memory_space<vmem>>, vector<1x1x1x8xf32>
      %swap3A_223 = vector.shape_cast %swap3A_222 : vector<1x1x1x8xf32> to vector<1x8xf32>
      %swap3A_224 = vector.shape_cast %select_n3A_217 : vector<1x8xf32> to vector<1x1x1x8xf32>
      tpu.vector_store %arg6[%swap3A_218, %swap3A_219, %swap3A_220, %swap3A_221], %swap3A_224 {strides = array<i32>} : memref<1x4x128x8xf32, #tpu.memory_space<vmem>>, vector<1x1x1x8xf32>,
      %reduce_max3A_225 = arith.constant dense<0xFF800000> : vector<80xf32>
      %reduce_max3A_226 = vector.multi_reduction <maximumf>, %scan3A_156, %reduce_max3A_225 [1] : vector<80x128xf32> to vector<80xf32>
      %broadcast_in_dim3A_227 = vector.shape_cast %reduce_max3A_226 : vector<80xf32> to vector<80x1xf32>
      %eq3A_228 = vector.broadcast %broadcast_in_dim3A_227 : vector<80x1xf32> to vector<80x128xf32>
      %eq3A_229 = arith.cmpf oeq, %scan3A_156, %eq3A_228 : vector<80x128xf32>
      %jit3A_230 = arith.constant 128 : i32
      %broadcast_in_dim3A_231 = vector.broadcast %jit3A_230 : i32 to vector<80x128xi32>
      %select_n3A_232 = arith.select %eq3A_229, %iota3A_139, %broadcast_in_dim3A_231 : vector<80x128xi1>, vector<80x128xi32>
      %reduce_min3A_233 = arith.constant dense<2147483647> : vector<80xi32>
      %reduce_min3A_234 = vector.multi_reduction <minsi>, %select_n3A_232, %reduce_min3A_233 [1] : vector<80x128xi32> to vector<80xi32>
      %broadcast_in_dim3A_235 = vector.shape_cast %reduce_min3A_234 : vector<80xi32> to vector<80x1xi32>
      %reduce_max3A_236 = vector.shape_cast %broadcast_in_dim3A_227 : vector<80x1xf32> to vector<1x80x1xf32>
      %reduce_max3A_237 = arith.constant dense<0xFF800000> : vector<1xf32>
      %reduce_max3A_238 = vector.multi_reduction <maximumf>, %reduce_max3A_236, %reduce_max3A_237 [1, 2] : vector<1x80x1xf32> to vector<1xf32>
      %reduce_max3A_239 = vector.shape_cast %reduce_max3A_238 : vector<1xf32> to vector<1x1x1xf32>
      %reduce_max3A_240 = vector.extract %reduce_max3A_239[0, 0, 0] : f32 from vector<1x1x1xf32>
      %eq3A_241 = vector.broadcast %reduce_max3A_240 : f32 to vector<80x1xf32>
      %eq3A_242 = arith.cmpf oeq, %broadcast_in_dim3A_227, %eq3A_241 : vector<80x1xf32>
      %jit3A_243 = arith.constant 80 : i32
      %broadcast_in_dim3A_244 = vector.broadcast %jit3A_243 : i32 to vector<80x1xi32>
      %select_n3A_245 = arith.select %eq3A_242, %iota3A_137, %broadcast_in_dim3A_244 : vector<80x1xi1>, vector<80x1xi32>
      %reduce_min3A_246 = vector.shape_cast %select_n3A_245 : vector<80x1xi32> to vector<1x80x1xi32>
      %reduce_min3A_247 = arith.constant dense<2147483647> : vector<1xi32>
      %reduce_min3A_248 = vector.multi_reduction <minsi>, %reduce_min3A_246, %reduce_min3A_247 [1, 2] : vector<1x80x1xi32> to vector<1xi32>
      %reduce_min3A_249 = vector.shape_cast %reduce_min3A_248 : vector<1xi32> to vector<1x1x1xi32>
      %reduce_min3A_250 = vector.extract %reduce_min3A_249[0, 0, 0] : i32 from vector<1x1x1xi32>
      %eq3A_251 = vector.broadcast %reduce_min3A_250 : i32 to vector<80x1xi32>
      %eq3A_252 = arith.cmpi eq, %iota3A_137, %eq3A_251 : vector<80x1xi32>
      %jit3A_253 = arith.constant 128 : i32
      %broadcast_in_dim3A_254 = vector.broadcast %jit3A_253 : i32 to vector<80x1xi32>
      %select_n3A_255 = arith.select %eq3A_252, %broadcast_in_dim3A_235, %broadcast_in_dim3A_254 : vector<80x1xi1>, vector<80x1xi32>
      %reduce_min3A_256 = vector.shape_cast %select_n3A_255 : vector<80x1xi32> to vector<1x80x1xi32>
      %reduce_min3A_257 = arith.constant dense<2147483647> : vector<1xi32>
      %reduce_min3A_258 = vector.multi_reduction <minsi>, %reduce_min3A_256, %reduce_min3A_257 [1, 2] : vector<1x80x1xi32> to vector<1xi32>
      %reduce_min3A_259 = vector.shape_cast %reduce_min3A_258 : vector<1xi32> to vector<1x1x1xi32>
      %reduce_min3A_260 = vector.extract %reduce_min3A_259[0, 0, 0] : i32 from vector<1x1x1xi32>
      %eq3A_261 = vector.broadcast %reduce_min3A_250 : i32 to vector<80x128xi32>
      %eq3A_262 = arith.cmpi eq, %iota3A_138, %eq3A_261 : vector<80x128xi32>
      %eq3A_263 = vector.broadcast %reduce_min3A_260 : i32 to vector<80x128xi32>
      %eq3A_264 = arith.cmpi eq, %iota3A_139, %eq3A_263 : vector<80x128xi32>
      %and3A_265 = arith.andi %eq3A_262, %eq3A_264 : vector<80x128xi1>
      %jit3A_266 = arith.constant 0xFF800000 : f32
      %broadcast_in_dim3A_267 = vector.broadcast %jit3A_266 : f32 to vector<80x128xf32>
      %select_n3A_268 = arith.select %and3A_265, %broadcast_in_dim3A_267, %scan3A_156 : vector<80x128xi1>, vector<80x128xf32>
      %add3A_269 = arith.constant 80 : i32
      %add3A_270 = arith.addi %reduce_min3A_250, %add3A_269 : i32
      %get3A_271 = arith.index_cast %add3A_270 : i32 to index
      %get3A_272 = arith.index_cast %reduce_min3A_260 : i32 to index
      %get3A_273 = arith.constant 0 : index
      %get3A_274 = vector.load %arg10[%get3A_271, %get3A_272, %get3A_273] : memref<320x128x8xf32, #tpu.memory_space<vmem>>, vector<1x1x8xf32>
      %squeeze3A_275 = vector.shape_cast %get3A_274 : vector<1x1x8xf32> to vector<1x8xf32>
      %eq3A_276 = arith.constant 4 : i32
      %eq3A_277 = vector.broadcast %eq3A_276 : i32 to vector<1x8xi32>
      %eq3A_278 = arith.cmpi eq, %iota3A_140, %eq3A_277 : vector<1x8xi32>
      %broadcast_in_dim3A_279 = vector.broadcast %reduce_max3A_240 : f32 to vector<1x8xf32>
      %select_n3A_280 = arith.select %eq3A_278, %broadcast_in_dim3A_279, %squeeze3A_275 : vector<1x8xi1>, vector<1x8xf32>
      %eq3A_281 = arith.constant 5 : i32
      %eq3A_282 = vector.broadcast %eq3A_281 : i32 to vector<1x8xi32>
      %eq3A_283 = arith.cmpi eq, %iota3A_140, %eq3A_282 : vector<1x8xi32>
      %convert_element_type3A_284 = arith.sitofp %reduce_min3A_250 : i32 to f32
      %broadcast_in_dim3A_285 = vector.broadcast %convert_element_type3A_284 : f32 to vector<1x8xf32>
      %select_n3A_286 = arith.select %eq3A_283, %broadcast_in_dim3A_285, %select_n3A_280 : vector<1x8xi1>, vector<1x8xf32>
      %gt3A_287 = arith.constant 3.000000e-01 : f32
      %gt3A_288 = arith.cmpf ogt, %reduce_max3A_240, %gt3A_287 : f32
      %jit3A_289 = arith.constant 0.000000e+00 : f32
      %broadcast_in_dim3A_290 = vector.broadcast %jit3A_289 : f32 to vector<1x8xf32>
      %select_n3A_291 = arith.select %gt3A_288, %select_n3A_286, %broadcast_in_dim3A_290 : vector<1x8xf32>
      %swap3A_292 = arith.constant 0 : index
      %swap3A_293 = arith.constant 1 : index
      %swap3A_294 = arith.index_cast %scan3A_154 : i32 to index
      %swap3A_295 = arith.constant 0 : index
      %swap3A_296 = vector.load %arg6[%swap3A_292, %swap3A_293, %swap3A_294, %swap3A_295] : memref<1x4x128x8xf32, #tpu.memory_space<vmem>>, vector<1x1x1x8xf32>
      %swap3A_297 = vector.shape_cast %swap3A_296 : vector<1x1x1x8xf32> to vector<1x8xf32>
      %swap3A_298 = vector.shape_cast %select_n3A_291 : vector<1x8xf32> to vector<1x1x1x8xf32>
      tpu.vector_store %arg6[%swap3A_292, %swap3A_293, %swap3A_294, %swap3A_295], %swap3A_298 {strides = array<i32>} : memref<1x4x128x8xf32, #tpu.memory_space<vmem>>, vector<1x1x1x8xf32>,
      %reduce_max3A_299 = arith.constant dense<0xFF800000> : vector<80xf32>
      %reduce_max3A_300 = vector.multi_reduction <maximumf>, %scan3A_157, %reduce_max3A_299 [1] : vector<80x128xf32> to vector<80xf32>
      %broadcast_in_dim3A_301 = vector.shape_cast %reduce_max3A_300 : vector<80xf32> to vector<80x1xf32>
      %eq3A_302 = vector.broadcast %broadcast_in_dim3A_301 : vector<80x1xf32> to vector<80x128xf32>
      %eq3A_303 = arith.cmpf oeq, %scan3A_157, %eq3A_302 : vector<80x128xf32>
      %jit3A_304 = arith.constant 128 : i32
      %broadcast_in_dim3A_305 = vector.broadcast %jit3A_304 : i32 to vector<80x128xi32>
      %select_n3A_306 = arith.select %eq3A_303, %iota3A_139, %broadcast_in_dim3A_305 : vector<80x128xi1>, vector<80x128xi32>
      %reduce_min3A_307 = arith.constant dense<2147483647> : vector<80xi32>
      %reduce_min3A_308 = vector.multi_reduction <minsi>, %select_n3A_306, %reduce_min3A_307 [1] : vector<80x128xi32> to vector<80xi32>
      %broadcast_in_dim3A_309 = vector.shape_cast %reduce_min3A_308 : vector<80xi32> to vector<80x1xi32>
      %reduce_max3A_310 = vector.shape_cast %broadcast_in_dim3A_301 : vector<80x1xf32> to vector<1x80x1xf32>
      %reduce_max3A_311 = arith.constant dense<0xFF800000> : vector<1xf32>
      %reduce_max3A_312 = vector.multi_reduction <maximumf>, %reduce_max3A_310, %reduce_max3A_311 [1, 2] : vector<1x80x1xf32> to vector<1xf32>
      %reduce_max3A_313 = vector.shape_cast %reduce_max3A_312 : vector<1xf32> to vector<1x1x1xf32>
      %reduce_max3A_314 = vector.extract %reduce_max3A_313[0, 0, 0] : f32 from vector<1x1x1xf32>
      %eq3A_315 = vector.broadcast %reduce_max3A_314 : f32 to vector<80x1xf32>
      %eq3A_316 = arith.cmpf oeq, %broadcast_in_dim3A_301, %eq3A_315 : vector<80x1xf32>
      %jit3A_317 = arith.constant 80 : i32
      %broadcast_in_dim3A_318 = vector.broadcast %jit3A_317 : i32 to vector<80x1xi32>
      %select_n3A_319 = arith.select %eq3A_316, %iota3A_137, %broadcast_in_dim3A_318 : vector<80x1xi1>, vector<80x1xi32>
      %reduce_min3A_320 = vector.shape_cast %select_n3A_319 : vector<80x1xi32> to vector<1x80x1xi32>
      %reduce_min3A_321 = arith.constant dense<2147483647> : vector<1xi32>
      %reduce_min3A_322 = vector.multi_reduction <minsi>, %reduce_min3A_320, %reduce_min3A_321 [1, 2] : vector<1x80x1xi32> to vector<1xi32>
      %reduce_min3A_323 = vector.shape_cast %reduce_min3A_322 : vector<1xi32> to vector<1x1x1xi32>
      %reduce_min3A_324 = vector.extract %reduce_min3A_323[0, 0, 0] : i32 from vector<1x1x1xi32>
      %eq3A_325 = vector.broadcast %reduce_min3A_324 : i32 to vector<80x1xi32>
      %eq3A_326 = arith.cmpi eq, %iota3A_137, %eq3A_325 : vector<80x1xi32>
      %jit3A_327 = arith.constant 128 : i32
      %broadcast_in_dim3A_328 = vector.broadcast %jit3A_327 : i32 to vector<80x1xi32>
      %select_n3A_329 = arith.select %eq3A_326, %broadcast_in_dim3A_309, %broadcast_in_dim3A_328 : vector<80x1xi1>, vector<80x1xi32>
      %reduce_min3A_330 = vector.shape_cast %select_n3A_329 : vector<80x1xi32> to vector<1x80x1xi32>
      %reduce_min3A_331 = arith.constant dense<2147483647> : vector<1xi32>
      %reduce_min3A_332 = vector.multi_reduction <minsi>, %reduce_min3A_330, %reduce_min3A_331 [1, 2] : vector<1x80x1xi32> to vector<1xi32>
      %reduce_min3A_333 = vector.shape_cast %reduce_min3A_332 : vector<1xi32> to vector<1x1x1xi32>
      %reduce_min3A_334 = vector.extract %reduce_min3A_333[0, 0, 0] : i32 from vector<1x1x1xi32>
      %eq3A_335 = vector.broadcast %reduce_min3A_324 : i32 to vector<80x128xi32>
      %eq3A_336 = arith.cmpi eq, %iota3A_138, %eq3A_335 : vector<80x128xi32>
      %eq3A_337 = vector.broadcast %reduce_min3A_334 : i32 to vector<80x128xi32>
      %eq3A_338 = arith.cmpi eq, %iota3A_139, %eq3A_337 : vector<80x128xi32>
      %and3A_339 = arith.andi %eq3A_336, %eq3A_338 : vector<80x128xi1>
      %jit3A_340 = arith.constant 0xFF800000 : f32
      %broadcast_in_dim3A_341 = vector.broadcast %jit3A_340 : f32 to vector<80x128xf32>
      %select_n3A_342 = arith.select %and3A_339, %broadcast_in_dim3A_341, %scan3A_157 : vector<80x128xi1>, vector<80x128xf32>
      %add3A_343 = arith.constant 160 : i32
      %add3A_344 = arith.addi %reduce_min3A_324, %add3A_343 : i32
      %get3A_345 = arith.index_cast %add3A_344 : i32 to index
      %get3A_346 = arith.index_cast %reduce_min3A_334 : i32 to index
      %get3A_347 = arith.constant 0 : index
      %get3A_348 = vector.load %arg10[%get3A_345, %get3A_346, %get3A_347] : memref<320x128x8xf32, #tpu.memory_space<vmem>>, vector<1x1x8xf32>
      %squeeze3A_349 = vector.shape_cast %get3A_348 : vector<1x1x8xf32> to vector<1x8xf32>
      %eq3A_350 = arith.constant 4 : i32
      %eq3A_351 = vector.broadcast %eq3A_350 : i32 to vector<1x8xi32>
      %eq3A_352 = arith.cmpi eq, %iota3A_140, %eq3A_351 : vector<1x8xi32>
      %broadcast_in_dim3A_353 = vector.broadcast %reduce_max3A_314 : f32 to vector<1x8xf32>
      %select_n3A_354 = arith.select %eq3A_352, %broadcast_in_dim3A_353, %squeeze3A_349 : vector<1x8xi1>, vector<1x8xf32>
      %eq3A_355 = arith.constant 5 : i32
      %eq3A_356 = vector.broadcast %eq3A_355 : i32 to vector<1x8xi32>
      %eq3A_357 = arith.cmpi eq, %iota3A_140, %eq3A_356 : vector<1x8xi32>
      %convert_element_type3A_358 = arith.sitofp %reduce_min3A_324 : i32 to f32
      %broadcast_in_dim3A_359 = vector.broadcast %convert_element_type3A_358 : f32 to vector<1x8xf32>
      %select_n3A_360 = arith.select %eq3A_357, %broadcast_in_dim3A_359, %select_n3A_354 : vector<1x8xi1>, vector<1x8xf32>
      %gt3A_361 = arith.constant 3.000000e-01 : f32
      %gt3A_362 = arith.cmpf ogt, %reduce_max3A_314, %gt3A_361 : f32
      %jit3A_363 = arith.constant 0.000000e+00 : f32
      %broadcast_in_dim3A_364 = vector.broadcast %jit3A_363 : f32 to vector<1x8xf32>
      %select_n3A_365 = arith.select %gt3A_362, %select_n3A_360, %broadcast_in_dim3A_364 : vector<1x8xf32>
      %swap3A_366 = arith.constant 0 : index
      %swap3A_367 = arith.constant 2 : index
      %swap3A_368 = arith.index_cast %scan3A_154 : i32 to index
      %swap3A_369 = arith.constant 0 : index
      %swap3A_370 = vector.load %arg6[%swap3A_366, %swap3A_367, %swap3A_368, %swap3A_369] : memref<1x4x128x8xf32, #tpu.memory_space<vmem>>, vector<1x1x1x8xf32>
      %swap3A_371 = vector.shape_cast %swap3A_370 : vector<1x1x1x8xf32> to vector<1x8xf32>
      %swap3A_372 = vector.shape_cast %select_n3A_365 : vector<1x8xf32> to vector<1x1x1x8xf32>
      tpu.vector_store %arg6[%swap3A_366, %swap3A_367, %swap3A_368, %swap3A_369], %swap3A_372 {strides = array<i32>} : memref<1x4x128x8xf32, #tpu.memory_space<vmem>>, vector<1x1x1x8xf32>,
      %reduce_max3A_373 = arith.constant dense<0xFF800000> : vector<80xf32>
      %reduce_max3A_374 = vector.multi_reduction <maximumf>, %scan3A_158, %reduce_max3A_373 [1] : vector<80x128xf32> to vector<80xf32>
      %broadcast_in_dim3A_375 = vector.shape_cast %reduce_max3A_374 : vector<80xf32> to vector<80x1xf32>
      %eq3A_376 = vector.broadcast %broadcast_in_dim3A_375 : vector<80x1xf32> to vector<80x128xf32>
      %eq3A_377 = arith.cmpf oeq, %scan3A_158, %eq3A_376 : vector<80x128xf32>
      %jit3A_378 = arith.constant 128 : i32
      %broadcast_in_dim3A_379 = vector.broadcast %jit3A_378 : i32 to vector<80x128xi32>
      %select_n3A_380 = arith.select %eq3A_377, %iota3A_139, %broadcast_in_dim3A_379 : vector<80x128xi1>, vector<80x128xi32>
      %reduce_min3A_381 = arith.constant dense<2147483647> : vector<80xi32>
      %reduce_min3A_382 = vector.multi_reduction <minsi>, %select_n3A_380, %reduce_min3A_381 [1] : vector<80x128xi32> to vector<80xi32>
      %broadcast_in_dim3A_383 = vector.shape_cast %reduce_min3A_382 : vector<80xi32> to vector<80x1xi32>
      %reduce_max3A_384 = vector.shape_cast %broadcast_in_dim3A_375 : vector<80x1xf32> to vector<1x80x1xf32>
      %reduce_max3A_385 = arith.constant dense<0xFF800000> : vector<1xf32>
      %reduce_max3A_386 = vector.multi_reduction <maximumf>, %reduce_max3A_384, %reduce_max3A_385 [1, 2] : vector<1x80x1xf32> to vector<1xf32>
      %reduce_max3A_387 = vector.shape_cast %reduce_max3A_386 : vector<1xf32> to vector<1x1x1xf32>
      %reduce_max3A_388 = vector.extract %reduce_max3A_387[0, 0, 0] : f32 from vector<1x1x1xf32>
      %eq3A_389 = vector.broadcast %reduce_max3A_388 : f32 to vector<80x1xf32>
      %eq3A_390 = arith.cmpf oeq, %broadcast_in_dim3A_375, %eq3A_389 : vector<80x1xf32>
      %jit3A_391 = arith.constant 80 : i32
      %broadcast_in_dim3A_392 = vector.broadcast %jit3A_391 : i32 to vector<80x1xi32>
      %select_n3A_393 = arith.select %eq3A_390, %iota3A_137, %broadcast_in_dim3A_392 : vector<80x1xi1>, vector<80x1xi32>
      %reduce_min3A_394 = vector.shape_cast %select_n3A_393 : vector<80x1xi32> to vector<1x80x1xi32>
      %reduce_min3A_395 = arith.constant dense<2147483647> : vector<1xi32>
      %reduce_min3A_396 = vector.multi_reduction <minsi>, %reduce_min3A_394, %reduce_min3A_395 [1, 2] : vector<1x80x1xi32> to vector<1xi32>
      %reduce_min3A_397 = vector.shape_cast %reduce_min3A_396 : vector<1xi32> to vector<1x1x1xi32>
      %reduce_min3A_398 = vector.extract %reduce_min3A_397[0, 0, 0] : i32 from vector<1x1x1xi32>
      %eq3A_399 = vector.broadcast %reduce_min3A_398 : i32 to vector<80x1xi32>
      %eq3A_400 = arith.cmpi eq, %iota3A_137, %eq3A_399 : vector<80x1xi32>
      %jit3A_401 = arith.constant 128 : i32
      %broadcast_in_dim3A_402 = vector.broadcast %jit3A_401 : i32 to vector<80x1xi32>
      %select_n3A_403 = arith.select %eq3A_400, %broadcast_in_dim3A_383, %broadcast_in_dim3A_402 : vector<80x1xi1>, vector<80x1xi32>
      %reduce_min3A_404 = vector.shape_cast %select_n3A_403 : vector<80x1xi32> to vector<1x80x1xi32>
      %reduce_min3A_405 = arith.constant dense<2147483647> : vector<1xi32>
      %reduce_min3A_406 = vector.multi_reduction <minsi>, %reduce_min3A_404, %reduce_min3A_405 [1, 2] : vector<1x80x1xi32> to vector<1xi32>
      %reduce_min3A_407 = vector.shape_cast %reduce_min3A_406 : vector<1xi32> to vector<1x1x1xi32>
      %reduce_min3A_408 = vector.extract %reduce_min3A_407[0, 0, 0] : i32 from vector<1x1x1xi32>
      %eq3A_409 = vector.broadcast %reduce_min3A_398 : i32 to vector<80x128xi32>
      %eq3A_410 = arith.cmpi eq, %iota3A_138, %eq3A_409 : vector<80x128xi32>
      %eq3A_411 = vector.broadcast %reduce_min3A_408 : i32 to vector<80x128xi32>
      %eq3A_412 = arith.cmpi eq, %iota3A_139, %eq3A_411 : vector<80x128xi32>
      %and3A_413 = arith.andi %eq3A_410, %eq3A_412 : vector<80x128xi1>
      %jit3A_414 = arith.constant 0xFF800000 : f32
      %broadcast_in_dim3A_415 = vector.broadcast %jit3A_414 : f32 to vector<80x128xf32>
      %select_n3A_416 = arith.select %and3A_413, %broadcast_in_dim3A_415, %scan3A_158 : vector<80x128xi1>, vector<80x128xf32>
      %add3A_417 = arith.constant 240 : i32
      %add3A_418 = arith.addi %reduce_min3A_398, %add3A_417 : i32
      %get3A_419 = arith.index_cast %add3A_418 : i32 to index
      %get3A_420 = arith.index_cast %reduce_min3A_408 : i32 to index
      %get3A_421 = arith.constant 0 : index
      %get3A_422 = vector.load %arg10[%get3A_419, %get3A_420, %get3A_421] : memref<320x128x8xf32, #tpu.memory_space<vmem>>, vector<1x1x8xf32>
      %squeeze3A_423 = vector.shape_cast %get3A_422 : vector<1x1x8xf32> to vector<1x8xf32>
      %eq3A_424 = arith.constant 4 : i32
      %eq3A_425 = vector.broadcast %eq3A_424 : i32 to vector<1x8xi32>
      %eq3A_426 = arith.cmpi eq, %iota3A_140, %eq3A_425 : vector<1x8xi32>
      %broadcast_in_dim3A_427 = vector.broadcast %reduce_max3A_388 : f32 to vector<1x8xf32>
      %select_n3A_428 = arith.select %eq3A_426, %broadcast_in_dim3A_427, %squeeze3A_423 : vector<1x8xi1>, vector<1x8xf32>
      %eq3A_429 = arith.constant 5 : i32
      %eq3A_430 = vector.broadcast %eq3A_429 : i32 to vector<1x8xi32>
      %eq3A_431 = arith.cmpi eq, %iota3A_140, %eq3A_430 : vector<1x8xi32>
      %convert_element_type3A_432 = arith.sitofp %reduce_min3A_398 : i32 to f32
      %broadcast_in_dim3A_433 = vector.broadcast %convert_element_type3A_432 : f32 to vector<1x8xf32>
      %select_n3A_434 = arith.select %eq3A_431, %broadcast_in_dim3A_433, %select_n3A_428 : vector<1x8xi1>, vector<1x8xf32>
      %gt3A_435 = arith.constant 3.000000e-01 : f32
      %gt3A_436 = arith.cmpf ogt, %reduce_max3A_388, %gt3A_435 : f32
      %jit3A_437 = arith.constant 0.000000e+00 : f32
      %broadcast_in_dim3A_438 = vector.broadcast %jit3A_437 : f32 to vector<1x8xf32>
      %select_n3A_439 = arith.select %gt3A_436, %select_n3A_434, %broadcast_in_dim3A_438 : vector<1x8xf32>
      %swap3A_440 = arith.constant 0 : index
      %swap3A_441 = arith.constant 3 : index
      %swap3A_442 = arith.index_cast %scan3A_154 : i32 to index
      %swap3A_443 = arith.constant 0 : index
      %swap3A_444 = vector.load %arg6[%swap3A_440, %swap3A_441, %swap3A_442, %swap3A_443] : memref<1x4x128x8xf32, #tpu.memory_space<vmem>>, vector<1x1x1x8xf32>
      %swap3A_445 = vector.shape_cast %swap3A_444 : vector<1x1x1x8xf32> to vector<1x8xf32>
      %swap3A_446 = vector.shape_cast %select_n3A_439 : vector<1x8xf32> to vector<1x1x1x8xf32>
      tpu.vector_store %arg6[%swap3A_440, %swap3A_441, %swap3A_442, %swap3A_443], %swap3A_446 {strides = array<i32>} : memref<1x4x128x8xf32, #tpu.memory_space<vmem>>, vector<1x1x1x8xf32>,
      scf.yield %select_n3A_198, %select_n3A_268, %select_n3A_342, %select_n3A_416 : vector<80x128xf32>, vector<80x128xf32>, vector<80x128xf32>, vector<80x128xf32>
    }
    %scan3A_153 = arith.constant 100 : i32
    return
  }
  func.func @transform_0(%arg0: i32) -> (i32, i32, i32) {
    %c0_i32 = arith.constant 0 : i32
    %c0_i32_0 = arith.constant 0 : i32
    %c0_i32_1 = arith.constant 0 : i32
    return %arg0, %c0_i32, %c0_i32_0 : i32, i32, i32
  }
  func.func @transform_1(%arg0: i32) -> (i32, i32, i32) {
    %c0_i32 = arith.constant 0 : i32
    %c0_i32_0 = arith.constant 0 : i32
    %c0_i32_1 = arith.constant 0 : i32
    return %arg0, %c0_i32, %c0_i32_0 : i32, i32, i32
  }
  func.func @transform_2(%arg0: i32) -> (i32, i32, i32) {
    %c0_i32 = arith.constant 0 : i32
    %c0_i32_0 = arith.constant 0 : i32
    %c0_i32_1 = arith.constant 0 : i32
    return %arg0, %c0_i32, %c0_i32_0 : i32, i32, i32
  }
  func.func @transform_3(%arg0: i32) -> (i32, i32, i32) {
    %c0_i32 = arith.constant 0 : i32
    %c0_i32_0 = arith.constant 0 : i32
    %c0_i32_1 = arith.constant 0 : i32
    return %arg0, %c0_i32, %c0_i32_0 : i32, i32, i32
  }
  func.func @transform_4(%arg0: i32) -> (i32, i32, i32) {
    %c0_i32 = arith.constant 0 : i32
    %c0_i32_0 = arith.constant 0 : i32
    %c0_i32_1 = arith.constant 0 : i32
    return %arg0, %c0_i32, %c0_i32_0 : i32, i32, i32
  }
  func.func @transform_5(%arg0: i32) -> (i32, i32, i32, i32) {
    %c0_i32 = arith.constant 0 : i32
    %c0_i32_0 = arith.constant 0 : i32
    %c0_i32_1 = arith.constant 0 : i32
    %c0_i32_2 = arith.constant 0 : i32
    return %arg0, %c0_i32, %c0_i32_0, %c0_i32_1 : i32, i32, i32, i32
  }
}

</mosaic_0001>

<sc_bundles>
// kernel: gather_offload_async_start.1
scs
__scs_entry_jumppad:
0x0: {  	(pc) =	sbr.rel $0x88, $3  }
0x1: {  	(tag) =	ssettag $0x0;
	lr =	simm.s32 $0x1  }
0x2: {  	[smem:$0x3F9B] =	sst lr;
	_ =	strace $0xD0000000  }
0x3: {  	_ = 	snop  }
0x4: {  	_ = 	snop  }
0x5: {  	_ = 	snop  }
0x6: {  	_ = 	snop  }
0x7: {  	_ = 	snop  }
__scs_overlays_trampoline_lowered:
0x8: {  	[smem:$0x3FAA] =	sst s0  }
0x9: {  	[smem:$0x3FAB] =	sst s1  }
0xa: {  	[smem:$0x3FAC] =	sst s2  }
0xb: {  	[smem:$0x3FAD] =	sst s3  }
0xc: {  	[smem:$0x3FAE] =	sst s4  }
0xd: {  	[smem:$0x3FAF] =	sst s5  }
0xe: {  	[smem:$0x3FB0] =	sst s6  }
0xf: {  	[smem:$0x3FB1] =	sst s7  }
0x10: {  	[smem:$0x3FB2] =	sst s8  }
0x11: {  	[smem:$0x3FB3] =	sst s9;
	s0 =	simm.s32 @!p0 $0x0  }
0x12: {  	s1 =	sld [smem:$0x3F99];
	s0 =	simm.s32 @p0 $0x1  }
0x13: {  	[smem:$0x3FB4] =	sst s0;
	s0 =	simm.s32 @!p1 $0x0  }
0x14: {  	s2 =	sld [smem:$0x3F98];
	s0 =	simm.s32 @p1 $0x1  }
0x15: {  	[smem:$0x3FB5] =	sst s0;
	s0 =	simm.s32 @!p2 $0x0  }
0x16: {  	s3 =	sld [smem:$0x3FDB];
	s0 =	simm.s32 @p2 $0x1  }
0x17: {  	s4 =	simm.s32 $0x1BF5;
	[smem:$0x3FB7] =	sst s0  }
0x18: {  	s0 =	sld [smem:$0x3F9A];
	_ =	swait.ge [sflag:s4], $0x0  }
0x19: {  	s7 =	sld [smem:$0x3F9B]  }
0x1a: {  	s8 =	sadd.s32 $0xFFFFE003, lr  }
0x1b: {  	s9 =	sadd.s32 $0xFFFFFEF7, lr;
	s5 =	simm.s32 $0xFFFFFFFF;
	p2 =	slt.u32 s8, $0xFFFFF086  }
0x1c: {  	p1 =	slt.u32 s9, $0xF7A;
	s5 =	simm.s32 @!p2 $0x0  }
0x1d: {  	s5 =	simm.s32 @p1 $0x1;
	p0 =	seq.s32 s7, s2  }
0x1e: {  	s7 =	smul.u32 @!p0 $0xF7A, s2;
	p2 =	seq.s32 @!p0 s5, $0x0  }
0x1f: {  	s9 =	smul.u32 $0xF7A, s1;
	s8 =	simm.s32 @!p0 $0x1BF5;
	p2 =	por !p2, p0  }
0x20: {  	[sflag:s8] =	ssyncset.s32 @!p0 $0xFFFFF086;
	s6 =	sadd.s32 @!p0 s3, s7;
	s7 =	simm.s32 @!p0 $0x108  }
0x21: {  	s3 =	sadd.s32 s3, s9;
	s6 =	sadd.s32 @!p0 $0x88, s6;
	s7 =	simm.s32 @p2 $0x1082  }
0x22: {  	[simem:s7], [sflag:s8] =	dma.local @!p0 [hbm:s6], $0xF7A  }
0x23: {  	s9 =	sor.u32 $0xD0000000, s2;
	s6 =	simm.s32 $0x108;
	_ =	swait.ge @!p0 [sflag:s8], $0x0  }
0x24: {  	s3 =	sadd.s32 $0x88, s3;
	s6 =	simm.s32 @!p1 $0x1082;
	[sflag:s4] =	ssyncset.s32 $0xFFFFF086  }
0x25: {  	[simem:s6], [sflag:s4] =	dma.local [hbm:s3], $0xF7A  }
0x26: {  	[smem:$0x3F9B] =	sst s1;
	(tag) =	ssettag s2;
	_ =	strace s9  }
0x27: {  	s1 =	sld [smem:$0x3FAB]  }
0x28: {  	s2 =	sld [smem:$0x3FAC]  }
0x29: {  	s4 =	sld [smem:$0x3FAE]  }
0x2a: {  	p0 =	seq.s32 s5, $0x0;
	s5 =	sld [smem:$0x3FAF]  }
0x2b: {  	s6 =	sld [smem:$0x3FB0]  }
0x2c: {  	s7 =	sld [smem:$0x3FB1]  }
0x2d: {  	s3 =	simm.s32 $0x108;
	s8 =	sld [smem:$0x3FB2]  }
0x2e: {  	s3 =	simm.s32 @!p0 $0x1082;
	s9 =	sld [smem:$0x3FB3]  }
0x2f: {  	lr =	sadd.s32 s0, s3;
	s0 =	sld [smem:$0x3FAA]  }
0x30: {  	s3 =	sld [smem:$0x3FAD]  }
0x31: {  	[smem:$0x3FB6] =	sst s10  }
0x32: {  	s10 =	sld [smem:$0x3FB4];
	_ =	sdelay $0x3  }
0x33: {  	p0 =	seq.s32 s10, $0x1;
	s10 =	sld [smem:$0x3FB6];
	_ =	sdelay $0x3  }
0x34: {  	[smem:$0x3FB6] =	sst s10  }
0x35: {  	s10 =	sld [smem:$0x3FB5];
	_ =	sdelay $0x3  }
0x36: {  	p1 =	seq.s32 s10, $0x1;
	s10 =	sld [smem:$0x3FB6];
	_ =	sdelay $0x3  }
0x37: {  	[smem:$0x3FB6] =	sst s10  }
0x38: {  	s10 =	sld [smem:$0x3FB7]  }
0x39: {  	_ = 	snop;
	(pc) =	sbr.ind lr, $3  }
0x3a: {  	_ = 	snop  }
0x3b: {  	_ = 	snop  }
0x3c: {  	p2 =	seq.s32 s10, $0x1;
	s10 =	sld [smem:$0x3FB6]  }
0x3d: {  	_ =	shalt  }
0x3e: {  	_ =	shalt  }
0x3f: {  	_ =	shalt  }
0x40: {  	_ =	shalt  }
0x41: {  	_ =	shalt  }
0x42: {  	_ =	shalt  }
0x43: {  	_ =	shalt  }
0x44: {  	_ =	shalt  }
0x45: {  	_ =	shalt  }
0x46: {  	_ =	shalt  }
0x47: {  	_ =	shalt  }
0x48: {  	_ =	shalt  }
0x49: {  	_ =	shalt  }
0x4a: {  	_ =	shalt  }
0x4b: {  	_ =	shalt  }
0x4c: {  	_ =	shalt  }
0x4d: {  	_ =	shalt  }
0x4e: {  	_ =	shalt  }
0x4f: {  	_ =	shalt  }
0x50: {  	_ =	shalt  }
0x51: {  	_ =	shalt  }
0x52: {  	_ =	shalt  }
0x53: {  	_ =	shalt  }
0x54: {  	_ =	shalt  }
0x55: {  	_ =	shalt  }
0x56: {  	_ =	shalt  }
0x57: {  	_ =	shalt  }
0x58: {  	_ =	shalt  }
0x59: {  	_ =	shalt  }
0x5a: {  	_ =	shalt  }
0x5b: {  	_ =	shalt  }
0x5c: {  	_ =	shalt  }
0x5d: {  	_ =	shalt  }
0x5e: {  	_ =	shalt  }
0x5f: {  	_ =	shalt  }
0x60: {  	_ =	shalt  }
0x61: {  	_ =	shalt  }
0x62: {  	_ =	shalt  }
0x63: {  	_ =	shalt  }
0x64: {  	_ =	shalt  }
0x65: {  	_ =	shalt  }
0x66: {  	_ =	shalt  }
0x67: {  	_ =	shalt  }
0x68: {  	_ =	shalt  }
0x69: {  	_ =	shalt  }
0x6a: {  	_ =	shalt  }
0x6b: {  	_ =	shalt  }
0x6c: {  	_ =	shalt  }
0x6d: {  	_ =	shalt  }
0x6e: {  	_ =	shalt  }
0x6f: {  	_ =	shalt  }
0x70: {  	_ =	shalt  }
0x71: {  	_ =	shalt  }
0x72: {  	_ =	shalt  }
0x73: {  	_ =	shalt  }
0x74: {  	_ =	shalt  }
0x75: {  	_ =	shalt  }
0x76: {  	_ =	shalt  }
0x77: {  	_ =	shalt  }
0x78: {  	_ =	shalt  }
0x79: {  	_ =	shalt  }
0x7a: {  	_ =	shalt  }
0x7b: {  	_ =	shalt  }
0x7c: {  	_ =	shalt  }
0x7d: {  	_ =	shalt  }
0x7e: {  	_ =	shalt  }
0x7f: {  	_ =	shalt  }
0x80: {  	_ =	shalt  }
0x81: {  	_ =	shalt  }
0x82: {  	_ =	shalt  }
0x83: {  	_ =	shalt  }
0x84: {  	_ =	shalt  }
0x85: {  	_ =	shalt  }
0x86: {  	_ =	shalt  }
0x87: {  	_ =	shalt  }
.Lfunc_end0:
.L_simem_size_0:
called_computation.1_lowered:
.L_overlay_start_0:
0x88: {  	s2 =	sld [smem:$0x3FD9]  }
0x89: {  	s3 =	sld [smem:$0x3FFE];
	_ =	sdelay $0x1  }
0x8a: {  	s1 =	srdreg.scid  }
0x8b: {  	s0 =	sand.u32 $0x1, s1  }
0x8c: {  	s17 =	sshll.u32 s0, $0xA;
	s2 =	sadd.s32 s3, s2  }
0x8d: {  	s2 =	sadd.s32 s2, s17  }
0x8e: {  	[smem:$0x3FC2] =	sst s2  }
0x8f: {  	_ = 	snop  }
0x90: {  	(tm) =	ssettm $0x1  }
0x91: {  	s18 =	sld [smem:$0x3FFB];
	_ =	sdelay $0x3  }
0x92: {  	_ =	strace s18  }
0x93: {  	s2 =	sld [smem:$0x3FFC];
	_ =	sdelay $0x3  }
0x94: {  	_ =	strace s2  }
0x95: {  	s2 =	sld [smem:$0x3FFD];
	_ =	sdelay $0x3  }
0x96: {  	_ =	strace s2  }
0x97: {  	_ =	strace $0x8FFFFFFF  }
0x98: {  	s19 =	sld [smem:$0x3FDB];
	_ =	sdelay $0x1  }
0x99: {  	s20 =	simm.s32 $_scs_section_size  }
0x9a: {  	s4 =	simm.s32 $_size__tile_overlayer_lowered;
	s5 =	simm.s32 $_tile_overlayer_lowered  }
0x9b: {  	s6 =	simm.s32 $0x1BFF;
	s21 =	sshll.u32 s5, $0x1;
	s3 =	sadd.s32 s20, s19  }
0x9c: {  	s22 =	simm.s32 $0x0;
	s4 =	sshll.u32 s4, $0x1;
	s5 =	sadd.s32 s21, s3  }
0x9d: {  	[timem:s22], [sflag:s6] =	dma.local [hbm:s5], s4  }
0x9e: {  	_ =	swait.ge [sflag:s6], s4  }
0x9f: {  	s4 =	ssub.s32 $0x0, s4;
	[sflag:s6] =	ssyncset.done $0x0  }
0xa0: {  	[sflag:s6] =	ssyncadd.s32 s4;
	_ =	sdelay $0x1  }
0xa1: {  	s23 =	simm.s32 $0x1B8B  }
0xa2: {  	_ =	swait.ge [sflag:s23], $0x1  }
0xa3: {  	[sflag:s23] =	ssyncset.done $0x0  }
0xa4: {  	[sflag:s23] =	ssyncadd.s32 $0xFFFFFFFF  }
0xa5: {  	s4 =	sld [smem:$0x0]  }
0xa6: {  	s5 =	sand.u32 $0xFFFFFFFE, s1  }
0xa7: {  	p0 =	sne.s32 s1, s5  }
0xa8: {  	s5 =	sshll.u32 @p0 s5, $0xE  }
0xa9: {  	s5 =	sadd.s32 @p0 $0x11B8D, s5;
	s6 =	sshll.u32 @p0 s4, $0x11  }
0xaa: {  	s5 =	sor.u32 @p0 s6, s5  }
0xab: {  	[sflag:s5] =	ssyncadd.remote.s32 @p0 $0x1;
	_ =	sdelay $0x1  }
0xac: {  	s5 =	simm.s32 @p0 $0x1B8D  }
0xad: {  	_ =	swait.eq @p0 [sflag:s5], $0x1  }
0xae: {  	[sflag:s5] =	ssyncadd.s32 @p0 $0xFFFFFFFF  }
0xaf: {  	s6 =	sshll.u32 @!p0 s1, $0xE  }
0xb0: {  	s6 =	sor.u32 @!p0 $0x4000, s6;
	s5 =	simm.s32 @!p0 $0x1B8D  }
0xb1: {  	s4 =	sshll.u32 @!p0 s4, $0x11;
	s6 =	sadd.s32 @!p0 $0x11B8D, s6;
	_ =	swait.eq @!p0 [sflag:s5], $0x1  }
0xb2: {  	s4 =	sor.u32 @!p0 s4, s6;
	[sflag:s5] =	ssyncadd.s32 @!p0 $0xFFFFFFFF  }
0xb3: {  	s25 =	simm.s32 $0x1B8E;
	s24 =	sld [smem:$0x3FFE];
	[sflag:s4] =	ssyncadd.remote.s32 @!p0 $0x1  }
0xb4: {  	s26 =	simm.s32 $execute0_lowered;
	[smem:$0x3FD2] =	sst s25  }
0xb5: {  	s5 =	sshll.u32 s26, $0x1;
	_ =	strace $0x8000004C;
	[dreg:$0x1] =	wrdreg $0xFFFFFFFF  }
0xb6: {  	s28 =	simm.s32 $_size_execute0_lowered;
	s3 =	sadd.s32 s3, s5;
	[dreg:$0x0] =	wrdreg $0x0  }
0xb7: {  	s5 =	sshll.u32 s28, $0x1;
	[dreg:$0x2] =	wrdreg s3  }
0xb8: {  	[dreg:$0x3] =	wrdreg s5  }
0xb9: {  	[dreg:$0x4] =	wrdreg $0xC0  }
0xba: {  	_ =	task [dreg:s22], $0x5FFFF  }
0xbb: {  	[dreg:$0x1] =	wrdreg $0xFFFFFFFF  }
0xbc: {  	[dreg:$0x0] =	wrdreg $0x60  }
0xbd: {  	[dreg:$0x2] =	wrdreg s24  }
0xbe: {  	[dreg:$0x3] =	wrdreg $0x9  }
0xbf: {  	_ =	task.clear_ibuf [dreg:s22], $0x4FFFF;
	_ =	strace $0x9000004C  }
0xc0: {  	s29 =	simm.s32 $0x9;
	_ =	strace $0x8000004E  }
0xc1: {  	_ =	swait.ge [sflag:s29], $0x1  }
0xc2: {  	[sflag:s29] =	ssyncadd.s32 $0xFFFFFFFF  }
0xc3: {  	_ =	strace $0x9000004E  }
0xc4: {  	_ =	sfence  }
0xc5: {  	s30 =	sld [smem:$0x0];
	_ =	sdelay $0x2  }
0xc6: {  	s31 =	sshll.u32 s1, $0xD;
	s1 =	sshrl.u32 s1, $0x2  }
0xc7: {  	s4 =	sand.u32 $0x4000, s31;
	s1 =	sadd.s32 s1, s30  }
0xc8: {  	s0 =	sor.u32 s4, s0;
	s1 =	sshll.u32 s1, $0x11  }
0xc9: {  	s0 =	sor.u32 s1, s0  }
0xca: {  	s0 =	sadd.s32 $0x8F2B, s0  }
0xcb: {  	[sflag:s0] =	ssyncadd.remote.s32 $0x1  }
0xcc: {  	_ =	sfence.sel $0xFFFF  }
0xcd: {  	[dreg:$0x0] =	wrdreg $0xFFFFFFFF;
	(pc) =	sbr.abs _section_cstart, $3  }
0xce: {  	[dreg:$0x1] =	wrdreg $0xFFFFFFFF  }
0xcf: {  	_ =	task.clear_ibuf [dreg:s22], $0x2FFFF;
	_ =	strace $0x9FFFFFFF  }
0xd0: {  	(tm) =	ssettm $0x7FFFFFFF  }
0xd1: {  	_ =	shalt  }
tec
execute0_lowered:
.L_overlay_start_1:
0x0: {  	(tag) =	ssettag $0x1  }
0x1: {  	s0 =	srdreg.scid  }
0x2: {  	s1 =	sshll.u32 s0, $0x4  }
0x3: {  	s0 =	stileid.u32;
	s1 =	sand.u32 $0x10, s1  }
0x4: {  	s1 =	sor.u32 s0, s1  }
0x5: {  	s2 =	smin.u32 s1, $0x12  }
0x6: {  	s2 =	sadd.s32 s1, s2  }
0x7: {  	p0 =	slt.u32 s1, $0x12;
	s1 =	simm.s32 $0x280;
	s2 =	smul.u32 $0x140, s2  }
0x8: {  	s1 =	simm.s32 @!p0 $0x140  }
0x9: {  	s1 =	sadd.s32 s1, s2  }
0xa: {  	s3 =	smin.u32 s1, $0x3E80  }
0xb: {  	s7 =	ssub.s32 s3, s2  }
0xc: {  	p0 =	sgt.s32 s7, $0x0  }
0xd: {  	s7 =	simm.s32 @!p0 $0x0  }
0xe: {  	s4 =	smul.u32 $0xCCCD, s7  }
0xf: {  	s9 =	rddreg [dreg:$0x0];
	s6 =	simm.s32 $0x1;
	s11 =	simm.s32 $0x3  }
0x10: {  	s13 =	simm.s32 $0x0;
	s12 =	simm.s32 $0x0;
	s8 =	sshrl.u32 s4, $0x18  }
0x11: {  	s1 =	rddreg [dreg:$0x1];
	_ =	strace $0x8000004D;
	s10 =	smul.u32 $0x140, s8  }
.Ltmp0:
0x12: {  	s5 =	sadd.s32 $0x20FC00, s9;
	[sflag:s6] =	ssyncpa.u1 $0x0;
	(pc) =	sbr.rel .LBB2_1-.Ltmp0, $4  }
0x13: {  	s4 =	sadd.s32 $0x1200, s9;
	p0 =	sne.s32 s7, s10;
	s10 =	simm.s32 $0x1  }
0x14: {  	s9 =	sadd.s32 $0x24EC00, s9;
	s7 =	simm.s32 $0x2;
	s10 =	simm.s32 @!p0 $0x0  }
0x15: {  	[sflag:s7] =	ssyncpa.u1 $0x0;
	p0 =	por $0x0, $0x0;
	s8 =	sadd.s32 s8, s10  }
0x16: {  	vm0 =	vmmov $0xff;
	vm1 =	vcmask $0x3F20;
	[sflag:s11] =	ssyncpa.u1 $0x0;
	s11 =	smov.u32 s2;
	s10 =	sadd.s32 $0x1, s8  }
.LBB2_6:
0x17: {  	[hbm:s17] =	stream.linear.scatter [tilespmem:s14], [sflag:$0x3], $0x400, $0x38;
	[tilespmem:$0x14280] =	vst v63  }
.LBB2_7:
0x18: {  	s13 =	sadd.s32 $0x140, s11  }
0x19: {  	s15 =	smov.u32 s2;
	p2 =	slt.s32 s13, s3  }
0x1a: {  	s15 =	smov.u32 @p2 s13;
	p2 =	sne.s32 s12, s10  }
.Ltmp1:
0x1b: {  	p1 =	slt.u32 s12, $0x2;
	(pc) =	sbr.rel @!p2 .LBB2_8-.Ltmp1, $4  }
0x1c: {  	s14 =	simm.s32 @!p1 $0x3  }
0x1d: {  	s16 =	sadd.s32 $0x1, s12;
	_ =	swait.ge @!p1 [sflag:s14], $0xA000  }
0x1e: {  	p0 =	por !p0, !p0;
	s13 =	smov.u32 s11;
	[sflag:s14] =	ssyncset.done @!p1 $0x0  }
0x1f: {  	s12 =	smov.u32 s16;
	s11 =	smov.u32 s15;
	[sflag:s14] =	ssyncadd.s32 @!p1 $0xFFFF6000  }
.LBB2_1:
0x20: {  	p1 =	sge.u32 s12, s8  }
0x21: {  	s14 =	sxor.u32 @!p1 $0xFFFFFFFF, s12  }
0x22: {  	s14 =	sand.u32 @!p1 $0x1, s14  }
0x23: {  	s14 =	smul.u32 @!p1 $0x500, s14  }
0x24: {  	s31 =	sadd.s32 $0xFFFFFFFF, s12;
	s15 =	sshrl.u32 @!p1 s11, $0x3  }
0x25: {  	s16 =	sand.u32 @!p1 $0x7, s11;
	s15 =	sadd.s32 @!p1 s5, s15;
	s14 =	sshrl.u32 @!p1 s14, $0x2  }
0x26: {  	[tilespmem:s14], [sflag:$0x2] =	stream.linear.gather @!p1 [hbm4b:s15+s16], $0x140, $0x38;
	[tilespmem:$0x14280] =	vst v63  }
0x27: {  	p1 =	sge.u32 s31, s8  }
.Ltmp2:
0x28: {  	_ = 	snop;
	(pc) =	sbr.rel @p1 .LBB2_7-.Ltmp2, $1  }
0x29: {  	_ =	sdelay $0x3  }
0x2a: {  	s14 =	simm.s32 $0x1  }
0x2b: {  	s14 =	simm.s32 @!p0 $0x0  }
0x2c: {  	s15 =	smul.u32 $0x500, s14  }
0x2d: {  	_ =	swait.ge [sflag:s7], $0x140  }
0x2e: {  	[sflag:s7] =	ssyncset.done $0x0;
	s16 =	sshrl.u32 s15, $0x2  }
0x2f: {  	[sflag:s7] =	ssyncadd.s32 $0xFFFFFEC0;
	s15 =	sadd.s32 $0x0, s16  }
0x30: {  	v0 =	vld.msk [tilespmem:s15+$0x0 ss:$0x1], $0xffff;
	_ =	sdelay $0x4  }
0x31: {  	v1 =	vand.u32 $0xF, v0;
	v2 =	vshll.u32 v0, $0x3  }
0x32: {  	vm2 =	veq.s32 v0, $0x80000000;
	v0 =	vmul.u32 $0x32000, v1;
	v1 =	vand.u32 $0x3FF80, v2  }
0x33: {  	v1 =	vsel vm2, $0xFFFFFF80, v1  }
0x34: {  	v0 =	vsel vm2, $0xFFFCE000, v0;
	v2 =	vand.u32 $0xFFFFFC00, v1  }
0x35: {  	v1 =	vand.u32 $0x380, v1;
	v0 =	vadd.s32 v0, v2  }
0x36: {  	v0 =	vor.u32 v1, v0  }
0x37: {  	v0 =	vshrl.u32 v0, $0x3  }
0x38: {  	s14 =	smul.u32 $0x28000, s14;
	_ =	sdelay $0x1  }
0x39: {  	s14 =	sshrl.u32 s14, $0x2  }
0x3a: {  	s14 =	sor.u32 $0x280, s14  }
0x3b: {  	[tilespmem:s14], [sflag:$0x1] =	stream.indirect_vreg.gather [hbm:s4], $0x80, v0, vm0, $0x38;
	[tilespmem:$0x14280] =	vst v63  }
0x3c: {  	s17 =	sadd.s32 $0x10, s16;
	s15 =	sadd.s32 $0x400, s14  }
0x3d: {  	[tilespmem:s15], [sflag:$0x1] =	stream.indirect_vreg.gather [hbm:s4], $0x80, v0, vm1, $0x38;
	[tilespmem:$0x14280] =	vst v63  }
0x3e: {  	s18 =	simm.s32 $0x80;
	v0 =	vld.msk [tilespmem:s17+$0x0 ss:$0x1], $0xffff;
	s17 =	smov.u32 s14  }
.LBB2_3:
0x3f: {  	p1 =	sne.s32 s18, $0x4C0;
	_ =	sdelay $0x4  }
0x40: {  	v1 =	vand.u32 $0xF, v0;
	v2 =	vshll.u32 v0, $0x3  }
0x41: {  	vm2 =	veq.s32 v0, $0x80000000;
	v0 =	vmul.u32 $0x32000, v1;
	v1 =	vand.u32 $0x3FF80, v2  }
0x42: {  	v1 =	vsel vm2, $0xFFFFFF80, v1  }
0x43: {  	v0 =	vsel vm2, $0xFFFCE000, v0;
	v2 =	vand.u32 $0xFFFFFC00, v1  }
0x44: {  	v1 =	vand.u32 $0x380, v1;
	v0 =	vadd.s32 v0, v2  }
0x45: {  	v0 =	vor.u32 v1, v0  }
0x46: {  	v0 =	vshrl.u32 v0, $0x3;
	_ =	sdelay $0x3  }
.Ltmp3:
0x47: {  	s19 =	sshra.s32 s18, $0x2;
	s17 =	sadd.s32 $0x800, s17;
	(pc) =	sbr.rel @p1 .LBB2_3-.Ltmp3, $4  }
0x48: {  	[tilespmem:s17], [sflag:$0x1] =	stream.indirect_vreg.gather [hbm:s4], $0x80, v0, vm0, $0x38;
	[tilespmem:$0x14280] =	vst v63  }
0x49: {  	s19 =	sadd.s32 s19, s16;
	s20 =	sadd.s32 $0x400, s17  }
0x4a: {  	[tilespmem:s20], [sflag:$0x1] =	stream.indirect_vreg.gather [hbm:s4], $0x80, v0, vm1, $0x38;
	[tilespmem:$0x14280] =	vst v63  }
0x4b: {  	s18 =	sadd.s32 $0x40, s18;
	v0 =	vld.msk [tilespmem:s19+$0x0 ss:$0x1], $0xffff  }
0x4c: {  	_ =	sdelay $0x3  }
0x4d: {  	v1 =	vand.u32 $0xF, v0;
	v2 =	vshll.u32 v0, $0x3  }
0x4e: {  	vm2 =	veq.s32 v0, $0x80000000;
	v61 =	vmul.u32 $0x32000, v1;
	v62 =	vand.u32 $0x3FF80, v2  }
0x4f: {  	v1 =	vsel vm2, $0xFFFFFF80, v62  }
0x50: {  	v0 =	vsel vm2, $0xFFFCE000, v61;
	v63 =	vand.u32 $0xFFFFFC00, v1  }
0x51: {  	v1 =	vand.u32 $0x380, v1;
	v0 =	vadd.s32 v0, v63  }
0x52: {  	v0 =	vor.u32 v1, v0  }
0x53: {  	v0 =	vshrl.u32 v0, $0x3;
	_ =	sdelay $0x3  }
0x54: {  	s16 =	sadd.s32 $0x800, s17  }
0x55: {  	[tilespmem:s16], [sflag:$0x1] =	stream.indirect_vreg.gather [hbm:s4], $0x80, v0, vm0, $0x38;
	[tilespmem:$0x14280] =	vst v63  }
0x56: {  	s16 =	sadd.s32 $0x400, s16  }
0x57: {  	[tilespmem:s16], [sflag:$0x1] =	stream.indirect_vreg.gather [hbm:s4], $0x80, v0, vm1, $0x38;
	[tilespmem:$0x14280] =	vst v63  }
0x58: {  	s13 =	sshll.u32 s13, $0x4;
	_ =	swait.ge [sflag:s6], $0xA000  }
0x59: {  	s13 =	sadd.s32 s13, s9;
	[sflag:s6] =	ssyncset.done $0x0  }
0x5a: {  	s17 =	sadd.s32 $0x0, s13;
	s16 =	simm.s32 $0x80;
	[sflag:s6] =	ssyncadd.s32 $0xFFFF6000  }
.LBB2_5:
0x5b: {  	[hbm:s17] =	stream.linear.scatter [tilespmem:s14], [sflag:$0x3], $0x400, $0x38;
	[tilespmem:$0x14280] =	vst v63  }
0x5c: {  	s17 =	smov.u32 s16;
	s14 =	smov.u32 s15;
	p1 =	sne.s32 s16, $0x1380  }
.Ltmp4:
0x5d: {  	s16 =	sadd.s32 $0x80, s16;
	(pc) =	sbr.rel @p1 .LBB2_5-.Ltmp4, $2  }
0x5e: {  	_ =	sdelay $0x2  }
0x5f: {  	s15 =	sadd.s32 $0x400, s15;
	s17 =	sadd.s32 s17, s13  }
.Ltmp5:
0x60: {  	_ = 	snop;
	(pc) =	sbr.rel .LBB2_6-.Ltmp5, $1  }
0x61: {  	_ =	sdelay $0x3  }
.LBB2_8:
0x62: {  	_ =	sfence.sel $0x180000  }
0x63: {  	s2 =	simm.s32 $0x2;
	[bflag:$0x0] =	sbarrier.arrive $0xFFFF  }
0x64: {  	s30 =	simm.s32 $0x3;
	[sflag:s2] =	ssyncpa.u1 $0x1  }
0x65: {  	s31 =	simm.s32 $0x1;
	[sflag:s30] =	ssyncpa.u1 $0x1  }
0x66: {  	[sflag:s31] =	ssyncpa.u1 $0x1  }
0x67: {  	p0 =	sne.s32 s0, $0x0;
	_ =	strace $0x9000004D  }
0x68: {  	s0 =	sadd.s32 @!p0 $0x100000, s1;
	[bflag:$0x2] =	sbarrier.arrive $0xFFFF  }
0x69: {  	[sflag:s0] =	ssyncadd.tile.s32 @!p0 $0x1;
	_ =	shalt  }
.Lfunc_end2:
_tile_overlayer_lowered:
.L_overlay_start_2:
0x6a: {  	(tag) =	ssettag $0x2  }
0x6b: {  	s0 =	rddreg [dreg:$0x0];
	s2 =	stileid.u32  }
0x6c: {  	s1 =	rddreg [dreg:$0x1];
	p0 =	sne.s32 s2, $0x0  }
0x6d: {  	s3 =	rddreg [dreg:$0x2];
	[bflag:$0x3] =	sbarrier.arrive $0xFFFF;
	s2 =	simm.s32 @!p0 $0x1C01  }
0x6e: {  	[timem:s3], [sflag:s2] =	dma.local @!p0 [hbm:s0], s1  }
0x6f: {  	s0 =	simm.s32 @!p0 $0x1  }
0x70: {  	_ =	swait.ge @!p0 [sflag:s0], s1  }
0x71: {  	s1 =	ssub.s32 @!p0 $0x0, s1;
	[sflag:s0] =	ssyncset.done @!p0 $0x0  }
0x72: {  	[sflag:s0] =	ssyncadd.s32 @!p0 s1  }
0x73: {  	[bflag:$0x3] =	sbarrier.arrive $0xFFFF  }
0x74: {  	_ =	shalt  }

// kernel: gather_offload_async_start.2
scs
__scs_entry_jumppad:
0x0: {  	(pc) =	sbr.rel $0x88, $3  }
0x1: {  	(tag) =	ssettag $0x0;
	lr =	simm.s32 $0x1  }
0x2: {  	[smem:$0x3F9B] =	sst lr;
	_ =	strace $0xD0000000  }
0x3: {  	_ = 	snop  }
0x4: {  	_ = 	snop  }
0x5: {  	_ = 	snop  }
0x6: {  	_ = 	snop  }
0x7: {  	_ = 	snop  }
__scs_overlays_trampoline_lowered:
0x8: {  	[smem:$0x3FAA] =	sst s0  }
0x9: {  	[smem:$0x3FAB] =	sst s1  }
0xa: {  	[smem:$0x3FAC] =	sst s2  }
0xb: {  	[smem:$0x3FAD] =	sst s3  }
0xc: {  	[smem:$0x3FAE] =	sst s4  }
0xd: {  	[smem:$0x3FAF] =	sst s5  }
0xe: {  	[smem:$0x3FB0] =	sst s6  }
0xf: {  	[smem:$0x3FB1] =	sst s7  }
0x10: {  	[smem:$0x3FB2] =	sst s8  }
0x11: {  	[smem:$0x3FB3] =	sst s9;
	s0 =	simm.s32 @!p0 $0x0  }
0x12: {  	s1 =	sld [smem:$0x3F99];
	s0 =	simm.s32 @p0 $0x1  }
0x13: {  	[smem:$0x3FB4] =	sst s0;
	s0 =	simm.s32 @!p1 $0x0  }
0x14: {  	s2 =	sld [smem:$0x3F98];
	s0 =	simm.s32 @p1 $0x1  }
0x15: {  	[smem:$0x3FB5] =	sst s0;
	s0 =	simm.s32 @!p2 $0x0  }
0x16: {  	s3 =	sld [smem:$0x3FDB];
	s0 =	simm.s32 @p2 $0x1  }
0x17: {  	s4 =	simm.s32 $0x1BF5;
	[smem:$0x3FB7] =	sst s0  }
0x18: {  	s0 =	sld [smem:$0x3F9A];
	_ =	swait.ge [sflag:s4], $0x0  }
0x19: {  	s7 =	sld [smem:$0x3F9B]  }
0x1a: {  	s8 =	sadd.s32 $0xFFFFE003, lr  }
0x1b: {  	s9 =	sadd.s32 $0xFFFFFEF7, lr;
	s5 =	simm.s32 $0xFFFFFFFF;
	p2 =	slt.u32 s8, $0xFFFFF086  }
0x1c: {  	p1 =	slt.u32 s9, $0xF7A;
	s5 =	simm.s32 @!p2 $0x0  }
0x1d: {  	s5 =	simm.s32 @p1 $0x1;
	p0 =	seq.s32 s7, s2  }
0x1e: {  	s7 =	smul.u32 @!p0 $0xF7A, s2;
	p2 =	seq.s32 @!p0 s5, $0x0  }
0x1f: {  	s9 =	smul.u32 $0xF7A, s1;
	s8 =	simm.s32 @!p0 $0x1BF5;
	p2 =	por !p2, p0  }
0x20: {  	[sflag:s8] =	ssyncset.s32 @!p0 $0xFFFFF086;
	s6 =	sadd.s32 @!p0 s3, s7;
	s7 =	simm.s32 @!p0 $0x108  }
0x21: {  	s3 =	sadd.s32 s3, s9;
	s6 =	sadd.s32 @!p0 $0x88, s6;
	s7 =	simm.s32 @p2 $0x1082  }
0x22: {  	[simem:s7], [sflag:s8] =	dma.local @!p0 [hbm:s6], $0xF7A  }
0x23: {  	s9 =	sor.u32 $0xD0000000, s2;
	s6 =	simm.s32 $0x108;
	_ =	swait.ge @!p0 [sflag:s8], $0x0  }
0x24: {  	s3 =	sadd.s32 $0x88, s3;
	s6 =	simm.s32 @!p1 $0x1082;
	[sflag:s4] =	ssyncset.s32 $0xFFFFF086  }
0x25: {  	[simem:s6], [sflag:s4] =	dma.local [hbm:s3], $0xF7A  }
0x26: {  	[smem:$0x3F9B] =	sst s1;
	(tag) =	ssettag s2;
	_ =	strace s9  }
0x27: {  	s1 =	sld [smem:$0x3FAB]  }
0x28: {  	s2 =	sld [smem:$0x3FAC]  }
0x29: {  	s4 =	sld [smem:$0x3FAE]  }
0x2a: {  	p0 =	seq.s32 s5, $0x0;
	s5 =	sld [smem:$0x3FAF]  }
0x2b: {  	s6 =	sld [smem:$0x3FB0]  }
0x2c: {  	s7 =	sld [smem:$0x3FB1]  }
0x2d: {  	s3 =	simm.s32 $0x108;
	s8 =	sld [smem:$0x3FB2]  }
0x2e: {  	s3 =	simm.s32 @!p0 $0x1082;
	s9 =	sld [smem:$0x3FB3]  }
0x2f: {  	lr =	sadd.s32 s0, s3;
	s0 =	sld [smem:$0x3FAA]  }
0x30: {  	s3 =	sld [smem:$0x3FAD]  }
0x31: {  	[smem:$0x3FB6] =	sst s10  }
0x32: {  	s10 =	sld [smem:$0x3FB4];
	_ =	sdelay $0x3  }
0x33: {  	p0 =	seq.s32 s10, $0x1;
	s10 =	sld [smem:$0x3FB6];
	_ =	sdelay $0x3  }
0x34: {  	[smem:$0x3FB6] =	sst s10  }
0x35: {  	s10 =	sld [smem:$0x3FB5];
	_ =	sdelay $0x3  }
0x36: {  	p1 =	seq.s32 s10, $0x1;
	s10 =	sld [smem:$0x3FB6];
	_ =	sdelay $0x3  }
0x37: {  	[smem:$0x3FB6] =	sst s10  }
0x38: {  	s10 =	sld [smem:$0x3FB7]  }
0x39: {  	_ = 	snop;
	(pc) =	sbr.ind lr, $3  }
0x3a: {  	_ = 	snop  }
0x3b: {  	_ = 	snop  }
0x3c: {  	p2 =	seq.s32 s10, $0x1;
	s10 =	sld [smem:$0x3FB6]  }
0x3d: {  	_ =	shalt  }
0x3e: {  	_ =	shalt  }
0x3f: {  	_ =	shalt  }
0x40: {  	_ =	shalt  }
0x41: {  	_ =	shalt  }
0x42: {  	_ =	shalt  }
0x43: {  	_ =	shalt  }
0x44: {  	_ =	shalt  }
0x45: {  	_ =	shalt  }
0x46: {  	_ =	shalt  }
0x47: {  	_ =	shalt  }
0x48: {  	_ =	shalt  }
0x49: {  	_ =	shalt  }
0x4a: {  	_ =	shalt  }
0x4b: {  	_ =	shalt  }
0x4c: {  	_ =	shalt  }
0x4d: {  	_ =	shalt  }
0x4e: {  	_ =	shalt  }
0x4f: {  	_ =	shalt  }
0x50: {  	_ =	shalt  }
0x51: {  	_ =	shalt  }
0x52: {  	_ =	shalt  }
0x53: {  	_ =	shalt  }
0x54: {  	_ =	shalt  }
0x55: {  	_ =	shalt  }
0x56: {  	_ =	shalt  }
0x57: {  	_ =	shalt  }
0x58: {  	_ =	shalt  }
0x59: {  	_ =	shalt  }
0x5a: {  	_ =	shalt  }
0x5b: {  	_ =	shalt  }
0x5c: {  	_ =	shalt  }
0x5d: {  	_ =	shalt  }
0x5e: {  	_ =	shalt  }
0x5f: {  	_ =	shalt  }
0x60: {  	_ =	shalt  }
0x61: {  	_ =	shalt  }
0x62: {  	_ =	shalt  }
0x63: {  	_ =	shalt  }
0x64: {  	_ =	shalt  }
0x65: {  	_ =	shalt  }
0x66: {  	_ =	shalt  }
0x67: {  	_ =	shalt  }
0x68: {  	_ =	shalt  }
0x69: {  	_ =	shalt  }
0x6a: {  	_ =	shalt  }
0x6b: {  	_ =	shalt  }
0x6c: {  	_ =	shalt  }
0x6d: {  	_ =	shalt  }
0x6e: {  	_ =	shalt  }
0x6f: {  	_ =	shalt  }
0x70: {  	_ =	shalt  }
0x71: {  	_ =	shalt  }
0x72: {  	_ =	shalt  }
0x73: {  	_ =	shalt  }
0x74: {  	_ =	shalt  }
0x75: {  	_ =	shalt  }
0x76: {  	_ =	shalt  }
0x77: {  	_ =	shalt  }
0x78: {  	_ =	shalt  }
0x79: {  	_ =	shalt  }
0x7a: {  	_ =	shalt  }
0x7b: {  	_ =	shalt  }
0x7c: {  	_ =	shalt  }
0x7d: {  	_ =	shalt  }
0x7e: {  	_ =	shalt  }
0x7f: {  	_ =	shalt  }
0x80: {  	_ =	shalt  }
0x81: {  	_ =	shalt  }
0x82: {  	_ =	shalt  }
0x83: {  	_ =	shalt  }
0x84: {  	_ =	shalt  }
0x85: {  	_ =	shalt  }
0x86: {  	_ =	shalt  }
0x87: {  	_ =	shalt  }
.Lfunc_end0:
.L_simem_size_0:
called_computation.2_lowered:
.L_overlay_start_0:
0x88: {  	s2 =	sld [smem:$0x3FD9]  }
0x89: {  	s3 =	sld [smem:$0x3FFE];
	_ =	sdelay $0x1  }
0x8a: {  	s1 =	srdreg.scid  }
0x8b: {  	s0 =	sand.u32 $0x1, s1  }
0x8c: {  	s17 =	sshll.u32 s0, $0xA;
	s2 =	sadd.s32 s3, s2  }
0x8d: {  	s2 =	sadd.s32 s2, s17  }
0x8e: {  	[smem:$0x3FC2] =	sst s2  }
0x8f: {  	_ = 	snop  }
0x90: {  	(tm) =	ssettm $0x1  }
0x91: {  	s18 =	sld [smem:$0x3FFB];
	_ =	sdelay $0x3  }
0x92: {  	_ =	strace s18  }
0x93: {  	s2 =	sld [smem:$0x3FFC];
	_ =	sdelay $0x3  }
0x94: {  	_ =	strace s2  }
0x95: {  	s2 =	sld [smem:$0x3FFD];
	_ =	sdelay $0x3  }
0x96: {  	_ =	strace s2  }
0x97: {  	_ =	strace $0x8FFFFFFF  }
0x98: {  	s19 =	sld [smem:$0x3FDB];
	_ =	sdelay $0x1  }
0x99: {  	s20 =	simm.s32 $_scs_section_size  }
0x9a: {  	s4 =	simm.s32 $_size__tile_overlayer_lowered;
	s5 =	simm.s32 $_tile_overlayer_lowered  }
0x9b: {  	s6 =	simm.s32 $0x1BFF;
	s21 =	sshll.u32 s5, $0x1;
	s3 =	sadd.s32 s20, s19  }
0x9c: {  	s22 =	simm.s32 $0x0;
	s4 =	sshll.u32 s4, $0x1;
	s5 =	sadd.s32 s21, s3  }
0x9d: {  	[timem:s22], [sflag:s6] =	dma.local [hbm:s5], s4  }
0x9e: {  	_ =	swait.ge [sflag:s6], s4  }
0x9f: {  	s4 =	ssub.s32 $0x0, s4;
	[sflag:s6] =	ssyncset.done $0x0  }
0xa0: {  	[sflag:s6] =	ssyncadd.s32 s4;
	_ =	sdelay $0x1  }
0xa1: {  	s23 =	simm.s32 $0x1B8B  }
0xa2: {  	_ =	swait.ge [sflag:s23], $0x1  }
0xa3: {  	[sflag:s23] =	ssyncset.done $0x0  }
0xa4: {  	[sflag:s23] =	ssyncadd.s32 $0xFFFFFFFF  }
0xa5: {  	s4 =	sld [smem:$0x0]  }
0xa6: {  	s5 =	sand.u32 $0xFFFFFFFE, s1  }
0xa7: {  	p0 =	sne.s32 s1, s5  }
0xa8: {  	s5 =	sshll.u32 @p0 s5, $0xE  }
0xa9: {  	s5 =	sadd.s32 @p0 $0x11B8D, s5;
	s6 =	sshll.u32 @p0 s4, $0x11  }
0xaa: {  	s5 =	sor.u32 @p0 s6, s5  }
0xab: {  	[sflag:s5] =	ssyncadd.remote.s32 @p0 $0x1;
	_ =	sdelay $0x1  }
0xac: {  	s5 =	simm.s32 @p0 $0x1B8D  }
0xad: {  	_ =	swait.eq @p0 [sflag:s5], $0x1  }
0xae: {  	[sflag:s5] =	ssyncadd.s32 @p0 $0xFFFFFFFF  }
0xaf: {  	s6 =	sshll.u32 @!p0 s1, $0xE  }
0xb0: {  	s6 =	sor.u32 @!p0 $0x4000, s6;
	s5 =	simm.s32 @!p0 $0x1B8D  }
0xb1: {  	s4 =	sshll.u32 @!p0 s4, $0x11;
	s6 =	sadd.s32 @!p0 $0x11B8D, s6;
	_ =	swait.eq @!p0 [sflag:s5], $0x1  }
0xb2: {  	s4 =	sor.u32 @!p0 s4, s6;
	[sflag:s5] =	ssyncadd.s32 @!p0 $0xFFFFFFFF  }
0xb3: {  	s25 =	simm.s32 $0x1B8E;
	s24 =	sld [smem:$0x3FFE];
	[sflag:s4] =	ssyncadd.remote.s32 @!p0 $0x1  }
0xb4: {  	s26 =	simm.s32 $execute0_lowered;
	[smem:$0x3FD2] =	sst s25  }
0xb5: {  	s5 =	sshll.u32 s26, $0x1;
	_ =	strace $0x80000049;
	[dreg:$0x1] =	wrdreg $0xFFFFFFFF  }
0xb6: {  	s28 =	simm.s32 $_size_execute0_lowered;
	s3 =	sadd.s32 s3, s5;
	[dreg:$0x0] =	wrdreg $0x0  }
0xb7: {  	s5 =	sshll.u32 s28, $0x1;
	[dreg:$0x2] =	wrdreg s3  }
0xb8: {  	[dreg:$0x3] =	wrdreg s5  }
0xb9: {  	[dreg:$0x4] =	wrdreg $0xC0  }
0xba: {  	_ =	task [dreg:s22], $0x5FFFF  }
0xbb: {  	[dreg:$0x1] =	wrdreg $0xFFFFFFFF  }
0xbc: {  	[dreg:$0x0] =	wrdreg $0x60  }
0xbd: {  	[dreg:$0x2] =	wrdreg s24  }
0xbe: {  	[dreg:$0x3] =	wrdreg $0xA  }
0xbf: {  	_ =	task.clear_ibuf [dreg:s22], $0x4FFFF;
	_ =	strace $0x90000049  }
0xc0: {  	s29 =	simm.s32 $0xA;
	_ =	strace $0x8000004B  }
0xc1: {  	_ =	swait.ge [sflag:s29], $0x1  }
0xc2: {  	[sflag:s29] =	ssyncadd.s32 $0xFFFFFFFF  }
0xc3: {  	_ =	strace $0x9000004B  }
0xc4: {  	_ =	sfence  }
0xc5: {  	s30 =	sld [smem:$0x0];
	_ =	sdelay $0x2  }
0xc6: {  	s31 =	sshll.u32 s1, $0xD;
	s1 =	sshrl.u32 s1, $0x2  }
0xc7: {  	s4 =	sand.u32 $0x4000, s31;
	s1 =	sadd.s32 s1, s30  }
0xc8: {  	s0 =	sor.u32 s4, s0;
	s1 =	sshll.u32 s1, $0x11  }
0xc9: {  	s0 =	sor.u32 s1, s0  }
0xca: {  	s0 =	sadd.s32 $0x8F2B, s0  }
0xcb: {  	[sflag:s0] =	ssyncadd.remote.s32 $0x1  }
0xcc: {  	_ =	sfence.sel $0xFFFF  }
0xcd: {  	[dreg:$0x0] =	wrdreg $0xFFFFFFFF;
	(pc) =	sbr.abs _section_cstart, $3  }
0xce: {  	[dreg:$0x1] =	wrdreg $0xFFFFFFFF  }
0xcf: {  	_ =	task.clear_ibuf [dreg:s22], $0x2FFFF;
	_ =	strace $0x9FFFFFFF  }
0xd0: {  	(tm) =	ssettm $0x7FFFFFFF  }
0xd1: {  	_ =	shalt  }
tec
execute0_lowered:
.L_overlay_start_1:
0x0: {  	(tag) =	ssettag $0x1  }
0x1: {  	s0 =	srdreg.scid  }
0x2: {  	s1 =	sshll.u32 s0, $0x4  }
0x3: {  	s0 =	stileid.u32;
	s1 =	sand.u32 $0x10, s1  }
0x4: {  	s1 =	sor.u32 s0, s1  }
0x5: {  	s2 =	smin.u32 s1, $0x12  }
0x6: {  	s2 =	sadd.s32 s1, s2  }
0x7: {  	p0 =	slt.u32 s1, $0x12;
	s1 =	simm.s32 $0x280;
	s2 =	smul.u32 $0x140, s2  }
0x8: {  	s1 =	simm.s32 @!p0 $0x140  }
0x9: {  	s1 =	sadd.s32 s1, s2  }
0xa: {  	s3 =	smin.u32 s1, $0x3E80  }
0xb: {  	s7 =	ssub.s32 s3, s2  }
0xc: {  	p0 =	sgt.s32 s7, $0x0  }
0xd: {  	s7 =	simm.s32 @!p0 $0x0  }
0xe: {  	s4 =	smul.u32 $0xCCCD, s7  }
0xf: {  	s9 =	rddreg [dreg:$0x0];
	s6 =	simm.s32 $0x1;
	s11 =	simm.s32 $0x3  }
0x10: {  	s13 =	simm.s32 $0x0;
	s12 =	simm.s32 $0x0;
	s8 =	sshrl.u32 s4, $0x18  }
0x11: {  	s1 =	rddreg [dreg:$0x1];
	_ =	strace $0x8000004A;
	s10 =	smul.u32 $0x140, s8  }
.Ltmp0:
0x12: {  	s5 =	sadd.s32 $0x1F5200, s9;
	[sflag:s6] =	ssyncpa.u1 $0x0;
	(pc) =	sbr.rel .LBB2_1-.Ltmp0, $4  }
0x13: {  	s4 =	sadd.s32 $0x36E400, s9;
	p0 =	sne.s32 s7, s10;
	s10 =	simm.s32 $0x1  }
0x14: {  	s9 =	sadd.s32 $0x210400, s9;
	s7 =	simm.s32 $0x2;
	s10 =	simm.s32 @!p0 $0x0  }
0x15: {  	[sflag:s7] =	ssyncpa.u1 $0x0;
	p0 =	por $0x0, $0x0;
	s8 =	sadd.s32 s8, s10  }
0x16: {  	vm0 =	vmmov $0xff;
	vm1 =	vcmask $0x3F20;
	[sflag:s11] =	ssyncpa.u1 $0x0;
	s11 =	smov.u32 s2;
	s10 =	sadd.s32 $0x1, s8  }
.LBB2_6:
0x17: {  	[hbm:s17] =	stream.linear.scatter [tilespmem:s14], [sflag:$0x3], $0x400, $0x38;
	[tilespmem:$0x14280] =	vst v63  }
.LBB2_7:
0x18: {  	s13 =	sadd.s32 $0x140, s11  }
0x19: {  	s15 =	smov.u32 s2;
	p2 =	slt.s32 s13, s3  }
0x1a: {  	s15 =	smov.u32 @p2 s13;
	p2 =	sne.s32 s12, s10  }
.Ltmp1:
0x1b: {  	p1 =	slt.u32 s12, $0x2;
	(pc) =	sbr.rel @!p2 .LBB2_8-.Ltmp1, $4  }
0x1c: {  	s14 =	simm.s32 @!p1 $0x3  }
0x1d: {  	s16 =	sadd.s32 $0x1, s12;
	_ =	swait.ge @!p1 [sflag:s14], $0xA000  }
0x1e: {  	p0 =	por !p0, !p0;
	s13 =	smov.u32 s11;
	[sflag:s14] =	ssyncset.done @!p1 $0x0  }
0x1f: {  	s12 =	smov.u32 s16;
	s11 =	smov.u32 s15;
	[sflag:s14] =	ssyncadd.s32 @!p1 $0xFFFF6000  }
.LBB2_1:
0x20: {  	p1 =	sge.u32 s12, s8  }
0x21: {  	s14 =	sxor.u32 @!p1 $0xFFFFFFFF, s12  }
0x22: {  	s14 =	sand.u32 @!p1 $0x1, s14  }
0x23: {  	s14 =	smul.u32 @!p1 $0x500, s14  }
0x24: {  	s31 =	sadd.s32 $0xFFFFFFFF, s12;
	s15 =	sshrl.u32 @!p1 s11, $0x3  }
0x25: {  	s16 =	sand.u32 @!p1 $0x7, s11;
	s15 =	sadd.s32 @!p1 s5, s15;
	s14 =	sshrl.u32 @!p1 s14, $0x2  }
0x26: {  	[tilespmem:s14], [sflag:$0x2] =	stream.linear.gather @!p1 [hbm4b:s15+s16], $0x140, $0x38;
	[tilespmem:$0x14280] =	vst v63  }
0x27: {  	p1 =	sge.u32 s31, s8  }
.Ltmp2:
0x28: {  	_ = 	snop;
	(pc) =	sbr.rel @p1 .LBB2_7-.Ltmp2, $1  }
0x29: {  	_ =	sdelay $0x3  }
0x2a: {  	s14 =	simm.s32 $0x1  }
0x2b: {  	s14 =	simm.s32 @!p0 $0x0  }
0x2c: {  	s15 =	smul.u32 $0x500, s14  }
0x2d: {  	_ =	swait.ge [sflag:s7], $0x140  }
0x2e: {  	[sflag:s7] =	ssyncset.done $0x0;
	s16 =	sshrl.u32 s15, $0x2  }
0x2f: {  	[sflag:s7] =	ssyncadd.s32 $0xFFFFFEC0;
	s15 =	sadd.s32 $0x0, s16  }
0x30: {  	v0 =	vld.msk [tilespmem:s15+$0x0 ss:$0x1], $0xffff;
	_ =	sdelay $0x4  }
0x31: {  	v1 =	vand.u32 $0xF, v0;
	v2 =	vshll.u32 v0, $0x3  }
0x32: {  	vm2 =	veq.s32 v0, $0x80000000;
	v0 =	vmul.u32 $0xC8000, v1;
	v1 =	vand.u32 $0xFFF80, v2  }
0x33: {  	v1 =	vsel vm2, $0xFFFFFF80, v1  }
0x34: {  	v0 =	vsel vm2, $0xFFF38000, v0;
	v2 =	vand.u32 $0xFFFFFC00, v1  }
0x35: {  	v1 =	vand.u32 $0x380, v1;
	v0 =	vadd.s32 v0, v2  }
0x36: {  	v0 =	vor.u32 v1, v0  }
0x37: {  	v0 =	vshrl.u32 v0, $0x3  }
0x38: {  	s14 =	smul.u32 $0x28000, s14;
	_ =	sdelay $0x1  }
0x39: {  	s14 =	sshrl.u32 s14, $0x2  }
0x3a: {  	s14 =	sor.u32 $0x280, s14  }
0x3b: {  	[tilespmem:s14], [sflag:$0x1] =	stream.indirect_vreg.gather [hbm:s4], $0x80, v0, vm0, $0x38;
	[tilespmem:$0x14280] =	vst v63  }
0x3c: {  	s17 =	sadd.s32 $0x10, s16;
	s15 =	sadd.s32 $0x400, s14  }
0x3d: {  	[tilespmem:s15], [sflag:$0x1] =	stream.indirect_vreg.gather [hbm:s4], $0x80, v0, vm1, $0x38;
	[tilespmem:$0x14280] =	vst v63  }
0x3e: {  	s18 =	simm.s32 $0x80;
	v0 =	vld.msk [tilespmem:s17+$0x0 ss:$0x1], $0xffff;
	s17 =	smov.u32 s14  }
.LBB2_3:
0x3f: {  	p1 =	sne.s32 s18, $0x4C0;
	_ =	sdelay $0x4  }
0x40: {  	v1 =	vand.u32 $0xF, v0;
	v2 =	vshll.u32 v0, $0x3  }
0x41: {  	vm2 =	veq.s32 v0, $0x80000000;
	v0 =	vmul.u32 $0xC8000, v1;
	v1 =	vand.u32 $0xFFF80, v2  }
0x42: {  	v1 =	vsel vm2, $0xFFFFFF80, v1  }
0x43: {  	v0 =	vsel vm2, $0xFFF38000, v0;
	v2 =	vand.u32 $0xFFFFFC00, v1  }
0x44: {  	v1 =	vand.u32 $0x380, v1;
	v0 =	vadd.s32 v0, v2  }
0x45: {  	v0 =	vor.u32 v1, v0  }
0x46: {  	v0 =	vshrl.u32 v0, $0x3;
	_ =	sdelay $0x3  }
.Ltmp3:
0x47: {  	s19 =	sshra.s32 s18, $0x2;
	s17 =	sadd.s32 $0x800, s17;
	(pc) =	sbr.rel @p1 .LBB2_3-.Ltmp3, $4  }
0x48: {  	[tilespmem:s17], [sflag:$0x1] =	stream.indirect_vreg.gather [hbm:s4], $0x80, v0, vm0, $0x38;
	[tilespmem:$0x14280] =	vst v63  }
0x49: {  	s19 =	sadd.s32 s19, s16;
	s20 =	sadd.s32 $0x400, s17  }
0x4a: {  	[tilespmem:s20], [sflag:$0x1] =	stream.indirect_vreg.gather [hbm:s4], $0x80, v0, vm1, $0x38;
	[tilespmem:$0x14280] =	vst v63  }
0x4b: {  	s18 =	sadd.s32 $0x40, s18;
	v0 =	vld.msk [tilespmem:s19+$0x0 ss:$0x1], $0xffff  }
0x4c: {  	_ =	sdelay $0x3  }
0x4d: {  	v1 =	vand.u32 $0xF, v0;
	v2 =	vshll.u32 v0, $0x3  }
0x4e: {  	vm2 =	veq.s32 v0, $0x80000000;
	v61 =	vmul.u32 $0xC8000, v1;
	v62 =	vand.u32 $0xFFF80, v2  }
0x4f: {  	v1 =	vsel vm2, $0xFFFFFF80, v62  }
0x50: {  	v0 =	vsel vm2, $0xFFF38000, v61;
	v63 =	vand.u32 $0xFFFFFC00, v1  }
0x51: {  	v1 =	vand.u32 $0x380, v1;
	v0 =	vadd.s32 v0, v63  }
0x52: {  	v0 =	vor.u32 v1, v0  }
0x53: {  	v0 =	vshrl.u32 v0, $0x3;
	_ =	sdelay $0x3  }
0x54: {  	s16 =	sadd.s32 $0x800, s17  }
0x55: {  	[tilespmem:s16], [sflag:$0x1] =	stream.indirect_vreg.gather [hbm:s4], $0x80, v0, vm0, $0x38;
	[tilespmem:$0x14280] =	vst v63  }
0x56: {  	s16 =	sadd.s32 $0x400, s16  }
0x57: {  	[tilespmem:s16], [sflag:$0x1] =	stream.indirect_vreg.gather [hbm:s4], $0x80, v0, vm1, $0x38;
	[tilespmem:$0x14280] =	vst v63  }
0x58: {  	s13 =	sshll.u32 s13, $0x4;
	_ =	swait.ge [sflag:s6], $0xA000  }
0x59: {  	s13 =	sadd.s32 s13, s9;
	[sflag:s6] =	ssyncset.done $0x0  }
0x5a: {  	s17 =	sadd.s32 $0x0, s13;
	s16 =	simm.s32 $0x80;
	[sflag:s6] =	ssyncadd.s32 $0xFFFF6000  }
.LBB2_5:
0x5b: {  	[hbm:s17] =	stream.linear.scatter [tilespmem:s14], [sflag:$0x3], $0x400, $0x38;
	[tilespmem:$0x14280] =	vst v63  }
0x5c: {  	s17 =	smov.u32 s16;
	s14 =	smov.u32 s15;
	p1 =	sne.s32 s16, $0x1380  }
.Ltmp4:
0x5d: {  	s16 =	sadd.s32 $0x80, s16;
	(pc) =	sbr.rel @p1 .LBB2_5-.Ltmp4, $2  }
0x5e: {  	_ =	sdelay $0x2  }
0x5f: {  	s15 =	sadd.s32 $0x400, s15;
	s17 =	sadd.s32 s17, s13  }
.Ltmp5:
0x60: {  	_ = 	snop;
	(pc) =	sbr.rel .LBB2_6-.Ltmp5, $1  }
0x61: {  	_ =	sdelay $0x3  }
.LBB2_8:
0x62: {  	_ =	sfence.sel $0x180000  }
0x63: {  	s2 =	simm.s32 $0x2;
	[bflag:$0x0] =	sbarrier.arrive $0xFFFF  }
0x64: {  	s30 =	simm.s32 $0x3;
	[sflag:s2] =	ssyncpa.u1 $0x1  }
0x65: {  	s31 =	simm.s32 $0x1;
	[sflag:s30] =	ssyncpa.u1 $0x1  }
0x66: {  	[sflag:s31] =	ssyncpa.u1 $0x1  }
0x67: {  	p0 =	sne.s32 s0, $0x0;
	_ =	strace $0x9000004A  }
0x68: {  	s0 =	sadd.s32 @!p0 $0x100000, s1;
	[bflag:$0x2] =	sbarrier.arrive $0xFFFF  }
0x69: {  	[sflag:s0] =	ssyncadd.tile.s32 @!p0 $0x1;
	_ =	shalt  }
.Lfunc_end2:
_tile_overlayer_lowered:
.L_overlay_start_2:
0x6a: {  	(tag) =	ssettag $0x2  }
0x6b: {  	s0 =	rddreg [dreg:$0x0];
	s2 =	stileid.u32  }
0x6c: {  	s1 =	rddreg [dreg:$0x1];
	p0 =	sne.s32 s2, $0x0  }
0x6d: {  	s3 =	rddreg [dreg:$0x2];
	[bflag:$0x3] =	sbarrier.arrive $0xFFFF;
	s2 =	simm.s32 @!p0 $0x1C01  }
0x6e: {  	[timem:s3], [sflag:s2] =	dma.local @!p0 [hbm:s0], s1  }
0x6f: {  	s0 =	simm.s32 @!p0 $0x1  }
0x70: {  	_ =	swait.ge @!p0 [sflag:s0], s1  }
0x71: {  	s1 =	ssub.s32 @!p0 $0x0, s1;
	[sflag:s0] =	ssyncset.done @!p0 $0x0  }
0x72: {  	[sflag:s0] =	ssyncadd.s32 @!p0 s1  }
0x73: {  	[bflag:$0x3] =	sbarrier.arrive $0xFFFF  }
0x74: {  	_ =	shalt  }

// kernel: gather_offload_async_start.3
scs
__scs_entry_jumppad:
0x0: {  	(pc) =	sbr.rel $0x88, $3  }
0x1: {  	(tag) =	ssettag $0x0;
	lr =	simm.s32 $0x1  }
0x2: {  	[smem:$0x3F9B] =	sst lr;
	_ =	strace $0xD0000000  }
0x3: {  	_ = 	snop  }
0x4: {  	_ = 	snop  }
0x5: {  	_ = 	snop  }
0x6: {  	_ = 	snop  }
0x7: {  	_ = 	snop  }
__scs_overlays_trampoline_lowered:
0x8: {  	[smem:$0x3FAA] =	sst s0  }
0x9: {  	[smem:$0x3FAB] =	sst s1  }
0xa: {  	[smem:$0x3FAC] =	sst s2  }
0xb: {  	[smem:$0x3FAD] =	sst s3  }
0xc: {  	[smem:$0x3FAE] =	sst s4  }
0xd: {  	[smem:$0x3FAF] =	sst s5  }
0xe: {  	[smem:$0x3FB0] =	sst s6  }
0xf: {  	[smem:$0x3FB1] =	sst s7  }
0x10: {  	[smem:$0x3FB2] =	sst s8  }
0x11: {  	[smem:$0x3FB3] =	sst s9;
	s0 =	simm.s32 @!p0 $0x0  }
0x12: {  	s1 =	sld [smem:$0x3F99];
	s0 =	simm.s32 @p0 $0x1  }
0x13: {  	[smem:$0x3FB4] =	sst s0;
	s0 =	simm.s32 @!p1 $0x0  }
0x14: {  	s2 =	sld [smem:$0x3F98];
	s0 =	simm.s32 @p1 $0x1  }
0x15: {  	[smem:$0x3FB5] =	sst s0;
	s0 =	simm.s32 @!p2 $0x0  }
0x16: {  	s3 =	sld [smem:$0x3FDB];
	s0 =	simm.s32 @p2 $0x1  }
0x17: {  	s4 =	simm.s32 $0x1BF5;
	[smem:$0x3FB7] =	sst s0  }
0x18: {  	s0 =	sld [smem:$0x3F9A];
	_ =	swait.ge [sflag:s4], $0x0  }
0x19: {  	s7 =	sld [smem:$0x3F9B]  }
0x1a: {  	s8 =	sadd.s32 $0xFFFFE003, lr  }
0x1b: {  	s9 =	sadd.s32 $0xFFFFFEF7, lr;
	s5 =	simm.s32 $0xFFFFFFFF;
	p2 =	slt.u32 s8, $0xFFFFF086  }
0x1c: {  	p1 =	slt.u32 s9, $0xF7A;
	s5 =	simm.s32 @!p2 $0x0  }
0x1d: {  	s5 =	simm.s32 @p1 $0x1;
	p0 =	seq.s32 s7, s2  }
0x1e: {  	s7 =	smul.u32 @!p0 $0xF7A, s2;
	p2 =	seq.s32 @!p0 s5, $0x0  }
0x1f: {  	s9 =	smul.u32 $0xF7A, s1;
	s8 =	simm.s32 @!p0 $0x1BF5;
	p2 =	por !p2, p0  }
0x20: {  	[sflag:s8] =	ssyncset.s32 @!p0 $0xFFFFF086;
	s6 =	sadd.s32 @!p0 s3, s7;
	s7 =	simm.s32 @!p0 $0x108  }
0x21: {  	s3 =	sadd.s32 s3, s9;
	s6 =	sadd.s32 @!p0 $0x88, s6;
	s7 =	simm.s32 @p2 $0x1082  }
0x22: {  	[simem:s7], [sflag:s8] =	dma.local @!p0 [hbm:s6], $0xF7A  }
0x23: {  	s9 =	sor.u32 $0xD0000000, s2;
	s6 =	simm.s32 $0x108;
	_ =	swait.ge @!p0 [sflag:s8], $0x0  }
0x24: {  	s3 =	sadd.s32 $0x88, s3;
	s6 =	simm.s32 @!p1 $0x1082;
	[sflag:s4] =	ssyncset.s32 $0xFFFFF086  }
0x25: {  	[simem:s6], [sflag:s4] =	dma.local [hbm:s3], $0xF7A  }
0x26: {  	[smem:$0x3F9B] =	sst s1;
	(tag) =	ssettag s2;
	_ =	strace s9  }
0x27: {  	s1 =	sld [smem:$0x3FAB]  }
0x28: {  	s2 =	sld [smem:$0x3FAC]  }
0x29: {  	s4 =	sld [smem:$0x3FAE]  }
0x2a: {  	p0 =	seq.s32 s5, $0x0;
	s5 =	sld [smem:$0x3FAF]  }
0x2b: {  	s6 =	sld [smem:$0x3FB0]  }
0x2c: {  	s7 =	sld [smem:$0x3FB1]  }
0x2d: {  	s3 =	simm.s32 $0x108;
	s8 =	sld [smem:$0x3FB2]  }
0x2e: {  	s3 =	simm.s32 @!p0 $0x1082;
	s9 =	sld [smem:$0x3FB3]  }
0x2f: {  	lr =	sadd.s32 s0, s3;
	s0 =	sld [smem:$0x3FAA]  }
0x30: {  	s3 =	sld [smem:$0x3FAD]  }
0x31: {  	[smem:$0x3FB6] =	sst s10  }
0x32: {  	s10 =	sld [smem:$0x3FB4];
	_ =	sdelay $0x3  }
0x33: {  	p0 =	seq.s32 s10, $0x1;
	s10 =	sld [smem:$0x3FB6];
	_ =	sdelay $0x3  }
0x34: {  	[smem:$0x3FB6] =	sst s10  }
0x35: {  	s10 =	sld [smem:$0x3FB5];
	_ =	sdelay $0x3  }
0x36: {  	p1 =	seq.s32 s10, $0x1;
	s10 =	sld [smem:$0x3FB6];
	_ =	sdelay $0x3  }
0x37: {  	[smem:$0x3FB6] =	sst s10  }
0x38: {  	s10 =	sld [smem:$0x3FB7]  }
0x39: {  	_ = 	snop;
	(pc) =	sbr.ind lr, $3  }
0x3a: {  	_ = 	snop  }
0x3b: {  	_ = 	snop  }
0x3c: {  	p2 =	seq.s32 s10, $0x1;
	s10 =	sld [smem:$0x3FB6]  }
0x3d: {  	_ =	shalt  }
0x3e: {  	_ =	shalt  }
0x3f: {  	_ =	shalt  }
0x40: {  	_ =	shalt  }
0x41: {  	_ =	shalt  }
0x42: {  	_ =	shalt  }
0x43: {  	_ =	shalt  }
0x44: {  	_ =	shalt  }
0x45: {  	_ =	shalt  }
0x46: {  	_ =	shalt  }
0x47: {  	_ =	shalt  }
0x48: {  	_ =	shalt  }
0x49: {  	_ =	shalt  }
0x4a: {  	_ =	shalt  }
0x4b: {  	_ =	shalt  }
0x4c: {  	_ =	shalt  }
0x4d: {  	_ =	shalt  }
0x4e: {  	_ =	shalt  }
0x4f: {  	_ =	shalt  }
0x50: {  	_ =	shalt  }
0x51: {  	_ =	shalt  }
0x52: {  	_ =	shalt  }
0x53: {  	_ =	shalt  }
0x54: {  	_ =	shalt  }
0x55: {  	_ =	shalt  }
0x56: {  	_ =	shalt  }
0x57: {  	_ =	shalt  }
0x58: {  	_ =	shalt  }
0x59: {  	_ =	shalt  }
0x5a: {  	_ =	shalt  }
0x5b: {  	_ =	shalt  }
0x5c: {  	_ =	shalt  }
0x5d: {  	_ =	shalt  }
0x5e: {  	_ =	shalt  }
0x5f: {  	_ =	shalt  }
0x60: {  	_ =	shalt  }
0x61: {  	_ =	shalt  }
0x62: {  	_ =	shalt  }
0x63: {  	_ =	shalt  }
0x64: {  	_ =	shalt  }
0x65: {  	_ =	shalt  }
0x66: {  	_ =	shalt  }
0x67: {  	_ =	shalt  }
0x68: {  	_ =	shalt  }
0x69: {  	_ =	shalt  }
0x6a: {  	_ =	shalt  }
0x6b: {  	_ =	shalt  }
0x6c: {  	_ =	shalt  }
0x6d: {  	_ =	shalt  }
0x6e: {  	_ =	shalt  }
0x6f: {  	_ =	shalt  }
0x70: {  	_ =	shalt  }
0x71: {  	_ =	shalt  }
0x72: {  	_ =	shalt  }
0x73: {  	_ =	shalt  }
0x74: {  	_ =	shalt  }
0x75: {  	_ =	shalt  }
0x76: {  	_ =	shalt  }
0x77: {  	_ =	shalt  }
0x78: {  	_ =	shalt  }
0x79: {  	_ =	shalt  }
0x7a: {  	_ =	shalt  }
0x7b: {  	_ =	shalt  }
0x7c: {  	_ =	shalt  }
0x7d: {  	_ =	shalt  }
0x7e: {  	_ =	shalt  }
0x7f: {  	_ =	shalt  }
0x80: {  	_ =	shalt  }
0x81: {  	_ =	shalt  }
0x82: {  	_ =	shalt  }
0x83: {  	_ =	shalt  }
0x84: {  	_ =	shalt  }
0x85: {  	_ =	shalt  }
0x86: {  	_ =	shalt  }
0x87: {  	_ =	shalt  }
.Lfunc_end0:
.L_simem_size_0:
called_computation.3_lowered:
.L_overlay_start_0:
0x88: {  	s2 =	sld [smem:$0x3FD9]  }
0x89: {  	s3 =	sld [smem:$0x3FFE];
	_ =	sdelay $0x1  }
0x8a: {  	s1 =	srdreg.scid  }
0x8b: {  	s0 =	sand.u32 $0x1, s1  }
0x8c: {  	s16 =	sshll.u32 s0, $0xA;
	s2 =	sadd.s32 s3, s2  }
0x8d: {  	s2 =	sadd.s32 s2, s16  }
0x8e: {  	[smem:$0x3FC2] =	sst s2  }
0x8f: {  	_ = 	snop  }
0x90: {  	(tm) =	ssettm $0x1  }
0x91: {  	s17 =	sld [smem:$0x3FFB];
	_ =	sdelay $0x3  }
0x92: {  	_ =	strace s17  }
0x93: {  	s2 =	sld [smem:$0x3FFC];
	_ =	sdelay $0x3  }
0x94: {  	_ =	strace s2  }
0x95: {  	s2 =	sld [smem:$0x3FFD];
	_ =	sdelay $0x3  }
0x96: {  	_ =	strace s2  }
0x97: {  	_ =	strace $0x8FFFFFFF  }
0x98: {  	s18 =	sld [smem:$0x3FDB];
	_ =	sdelay $0x1  }
0x99: {  	s19 =	simm.s32 $_scs_section_size  }
0x9a: {  	s4 =	simm.s32 $_size__tile_overlayer_lowered;
	s5 =	simm.s32 $_tile_overlayer_lowered  }
0x9b: {  	s22 =	simm.s32 $0x1BFF;
	s21 =	sshll.u32 s5, $0x1;
	s2 =	sadd.s32 s19, s18  }
0x9c: {  	s6 =	simm.s32 $0x0;
	s20 =	sshll.u32 s4, $0x1;
	s4 =	sadd.s32 s21, s2  }
0x9d: {  	[timem:s6], [sflag:s22] =	dma.local [hbm:s4], s20  }
0x9e: {  	_ =	swait.ge [sflag:s22], s20  }
0x9f: {  	s3 =	ssub.s32 $0x0, s20;
	[sflag:s22] =	ssyncset.done $0x0  }
0xa0: {  	[sflag:s22] =	ssyncadd.s32 s3;
	_ =	sdelay $0x1  }
0xa1: {  	s23 =	simm.s32 $0x1B8B  }
0xa2: {  	_ =	swait.ge [sflag:s23], $0x1  }
0xa3: {  	[sflag:s23] =	ssyncset.done $0x0  }
0xa4: {  	s25 =	simm.s32 $0x1B8E;
	s24 =	sld [smem:$0x3FFE];
	[sflag:s23] =	ssyncadd.s32 $0xFFFFFFFF  }
0xa5: {  	s26 =	simm.s32 $execute0_lowered;
	[smem:$0x3FD2] =	sst s25  }
0xa6: {  	s4 =	sshll.u32 s26, $0x1;
	_ =	strace $0x80000046;
	[dreg:$0x1] =	wrdreg $0xFFFFFFFF  }
0xa7: {  	s28 =	simm.s32 $_size_execute0_lowered;
	s2 =	sadd.s32 s2, s4;
	[dreg:$0x0] =	wrdreg $0x0  }
0xa8: {  	s4 =	sshll.u32 s28, $0x1;
	[dreg:$0x2] =	wrdreg s2  }
0xa9: {  	[dreg:$0x3] =	wrdreg s4  }
0xaa: {  	[dreg:$0x4] =	wrdreg $0xC0  }
0xab: {  	_ =	task [dreg:s6], $0x5FFFF  }
0xac: {  	[dreg:$0x1] =	wrdreg $0xFFFFFFFF  }
0xad: {  	[dreg:$0x0] =	wrdreg $0x60  }
0xae: {  	[dreg:$0x2] =	wrdreg s24  }
0xaf: {  	[dreg:$0x3] =	wrdreg $0x9  }
0xb0: {  	_ =	task.clear_ibuf [dreg:s6], $0x4FFFF;
	_ =	strace $0x90000046  }
0xb1: {  	s29 =	simm.s32 $0x9;
	_ =	strace $0x80000048  }
0xb2: {  	_ =	swait.ge [sflag:s29], $0x1  }
0xb3: {  	[sflag:s29] =	ssyncadd.s32 $0xFFFFFFFF  }
0xb4: {  	_ =	strace $0x90000048  }
0xb5: {  	_ =	sfence  }
0xb6: {  	s30 =	sld [smem:$0x0];
	_ =	sdelay $0x2  }
0xb7: {  	s31 =	sshll.u32 s1, $0xD;
	s1 =	sshrl.u32 s1, $0x2  }
0xb8: {  	s3 =	sand.u32 $0x4000, s31;
	s1 =	sadd.s32 s1, s30  }
0xb9: {  	s0 =	sor.u32 s3, s0;
	s1 =	sshll.u32 s1, $0x11  }
0xba: {  	s0 =	sor.u32 s1, s0  }
0xbb: {  	s0 =	sadd.s32 $0x8F2B, s0  }
0xbc: {  	[sflag:s0] =	ssyncadd.remote.s32 $0x1  }
0xbd: {  	_ =	sfence.sel $0xFFFF  }
0xbe: {  	[dreg:$0x0] =	wrdreg $0xFFFFFFFF;
	(pc) =	sbr.abs _section_cstart, $3  }
0xbf: {  	[dreg:$0x1] =	wrdreg $0xFFFFFFFF  }
0xc0: {  	_ =	task.clear_ibuf [dreg:s6], $0x2FFFF;
	_ =	strace $0x9FFFFFFF  }
0xc1: {  	(tm) =	ssettm $0x7FFFFFFF  }
tec
execute0_lowered:
.L_overlay_start_1:
0x0: {  	(tag) =	ssettag $0x1  }
0x1: {  	s0 =	srdreg.scid  }
0x2: {  	s1 =	sshll.u32 s0, $0x4  }
0x3: {  	s0 =	stileid.u32;
	s1 =	sand.u32 $0x10, s1  }
0x4: {  	s1 =	sor.u32 s0, s1  }
0x5: {  	s2 =	smin.u32 s1, $0x12  }
0x6: {  	s2 =	sadd.s32 s1, s2  }
0x7: {  	p0 =	slt.u32 s1, $0x12;
	s1 =	simm.s32 $0x280;
	s2 =	smul.u32 $0x140, s2  }
0x8: {  	s1 =	simm.s32 @!p0 $0x140  }
0x9: {  	s1 =	sadd.s32 s1, s2  }
0xa: {  	s3 =	smin.u32 s1, $0x3E80  }
0xb: {  	s7 =	ssub.s32 s3, s2  }
0xc: {  	p0 =	sgt.s32 s7, $0x0  }
0xd: {  	s7 =	simm.s32 @!p0 $0x0  }
0xe: {  	s4 =	smul.u32 $0xCCCD, s7  }
0xf: {  	s9 =	rddreg [dreg:$0x0];
	s6 =	simm.s32 $0x1;
	s11 =	simm.s32 $0x3  }
0x10: {  	s13 =	simm.s32 $0x0;
	s12 =	simm.s32 $0x0;
	s8 =	sshrl.u32 s4, $0x18  }
0x11: {  	s1 =	rddreg [dreg:$0x1];
	_ =	strace $0x80000047;
	s10 =	smul.u32 $0x140, s8  }
.Ltmp0:
0x12: {  	s5 =	sadd.s32 $0x20FC00, s9;
	[sflag:s6] =	ssyncpa.u1 $0x0;
	(pc) =	sbr.rel .LBB2_1-.Ltmp0, $4  }
0x13: {  	s4 =	sadd.s32 $0x28D400, s9;
	p0 =	sne.s32 s7, s10;
	s10 =	simm.s32 $0x1  }
0x14: {  	s9 =	sadd.s32 $0x4FE400, s9;
	s7 =	simm.s32 $0x2;
	s10 =	simm.s32 @!p0 $0x0  }
0x15: {  	[sflag:s7] =	ssyncpa.u1 $0x0;
	p0 =	por $0x0, $0x0;
	s8 =	sadd.s32 s8, s10  }
0x16: {  	vm0 =	vmmov $0xff;
	vm1 =	vcmask $0x3F20;
	[sflag:s11] =	ssyncpa.u1 $0x0;
	s11 =	smov.u32 s2;
	s10 =	sadd.s32 $0x1, s8  }
.LBB2_6:
0x17: {  	[hbm:s17] =	stream.linear.scatter [tilespmem:s14], [sflag:$0x3], $0x400, $0x38;
	[tilespmem:$0x14280] =	vst v63  }
.LBB2_7:
0x18: {  	s13 =	sadd.s32 $0x140, s11  }
0x19: {  	s15 =	smov.u32 s2;
	p2 =	slt.s32 s13, s3  }
0x1a: {  	s15 =	smov.u32 @p2 s13;
	p2 =	sne.s32 s12, s10  }
.Ltmp1:
0x1b: {  	p1 =	slt.u32 s12, $0x2;
	(pc) =	sbr.rel @!p2 .LBB2_8-.Ltmp1, $4  }
0x1c: {  	s14 =	simm.s32 @!p1 $0x3  }
0x1d: {  	s16 =	sadd.s32 $0x1, s12;
	_ =	swait.ge @!p1 [sflag:s14], $0xA000  }
0x1e: {  	p0 =	por !p0, !p0;
	s13 =	smov.u32 s11;
	[sflag:s14] =	ssyncset.done @!p1 $0x0  }
0x1f: {  	s12 =	smov.u32 s16;
	s11 =	smov.u32 s15;
	[sflag:s14] =	ssyncadd.s32 @!p1 $0xFFFF6000  }
.LBB2_1:
0x20: {  	p1 =	sge.u32 s12, s8  }
0x21: {  	s14 =	sxor.u32 @!p1 $0xFFFFFFFF, s12  }
0x22: {  	s14 =	sand.u32 @!p1 $0x1, s14  }
0x23: {  	s14 =	smul.u32 @!p1 $0x500, s14  }
0x24: {  	s31 =	sadd.s32 $0xFFFFFFFF, s12;
	s15 =	sshrl.u32 @!p1 s11, $0x3  }
0x25: {  	s16 =	sand.u32 @!p1 $0x7, s11;
	s15 =	sadd.s32 @!p1 s5, s15;
	s14 =	sshrl.u32 @!p1 s14, $0x2  }
0x26: {  	[tilespmem:s14], [sflag:$0x2] =	stream.linear.gather @!p1 [hbm4b:s15+s16], $0x140, $0x38;
	[tilespmem:$0x14280] =	vst v63  }
0x27: {  	p1 =	sge.u32 s31, s8  }
.Ltmp2:
0x28: {  	_ = 	snop;
	(pc) =	sbr.rel @p1 .LBB2_7-.Ltmp2, $1  }
0x29: {  	_ =	sdelay $0x3  }
0x2a: {  	s14 =	simm.s32 $0x1  }
0x2b: {  	s14 =	simm.s32 @!p0 $0x0  }
0x2c: {  	s15 =	smul.u32 $0x500, s14  }
0x2d: {  	_ =	swait.ge [sflag:s7], $0x140  }
0x2e: {  	[sflag:s7] =	ssyncset.done $0x0;
	s16 =	sshrl.u32 s15, $0x2  }
0x2f: {  	[sflag:s7] =	ssyncadd.s32 $0xFFFFFEC0;
	s15 =	sadd.s32 $0x0, s16  }
0x30: {  	v0 =	vld.msk [tilespmem:s15+$0x0 ss:$0x1], $0xffff;
	_ =	sdelay $0x4  }
0x31: {  	v1 =	vand.u32 $0xF, v0;
	v2 =	vshll.u32 v0, $0x3  }
0x32: {  	vm2 =	veq.s32 v0, $0x80000000;
	v0 =	vmul.u32 $0x32000, v1;
	v1 =	vand.u32 $0x3FF80, v2  }
0x33: {  	v1 =	vsel vm2, $0xFFFFFF80, v1  }
0x34: {  	v0 =	vsel vm2, $0xFFFCE000, v0;
	v2 =	vand.u32 $0xFFFFFC00, v1  }
0x35: {  	v1 =	vand.u32 $0x380, v1;
	v0 =	vadd.s32 v0, v2  }
0x36: {  	v0 =	vor.u32 v1, v0  }
0x37: {  	v0 =	vshrl.u32 v0, $0x3  }
0x38: {  	s14 =	smul.u32 $0x28000, s14;
	_ =	sdelay $0x1  }
0x39: {  	s14 =	sshrl.u32 s14, $0x2  }
0x3a: {  	s14 =	sor.u32 $0x280, s14  }
0x3b: {  	[tilespmem:s14], [sflag:$0x1] =	stream.indirect_vreg.gather [hbm:s4], $0x80, v0, vm0, $0x38;
	[tilespmem:$0x14280] =	vst v63  }
0x3c: {  	s17 =	sadd.s32 $0x10, s16;
	s15 =	sadd.s32 $0x400, s14  }
0x3d: {  	[tilespmem:s15], [sflag:$0x1] =	stream.indirect_vreg.gather [hbm:s4], $0x80, v0, vm1, $0x38;
	[tilespmem:$0x14280] =	vst v63  }
0x3e: {  	s18 =	simm.s32 $0x80;
	v0 =	vld.msk [tilespmem:s17+$0x0 ss:$0x1], $0xffff;
	s17 =	smov.u32 s14  }
.LBB2_3:
0x3f: {  	p1 =	sne.s32 s18, $0x4C0;
	_ =	sdelay $0x4  }
0x40: {  	v1 =	vand.u32 $0xF, v0;
	v2 =	vshll.u32 v0, $0x3  }
0x41: {  	vm2 =	veq.s32 v0, $0x80000000;
	v0 =	vmul.u32 $0x32000, v1;
	v1 =	vand.u32 $0x3FF80, v2  }
0x42: {  	v1 =	vsel vm2, $0xFFFFFF80, v1  }
0x43: {  	v0 =	vsel vm2, $0xFFFCE000, v0;
	v2 =	vand.u32 $0xFFFFFC00, v1  }
0x44: {  	v1 =	vand.u32 $0x380, v1;
	v0 =	vadd.s32 v0, v2  }
0x45: {  	v0 =	vor.u32 v1, v0  }
0x46: {  	v0 =	vshrl.u32 v0, $0x3;
	_ =	sdelay $0x3  }
.Ltmp3:
0x47: {  	s19 =	sshra.s32 s18, $0x2;
	s17 =	sadd.s32 $0x800, s17;
	(pc) =	sbr.rel @p1 .LBB2_3-.Ltmp3, $4  }
0x48: {  	[tilespmem:s17], [sflag:$0x1] =	stream.indirect_vreg.gather [hbm:s4], $0x80, v0, vm0, $0x38;
	[tilespmem:$0x14280] =	vst v63  }
0x49: {  	s19 =	sadd.s32 s19, s16;
	s20 =	sadd.s32 $0x400, s17  }
0x4a: {  	[tilespmem:s20], [sflag:$0x1] =	stream.indirect_vreg.gather [hbm:s4], $0x80, v0, vm1, $0x38;
	[tilespmem:$0x14280] =	vst v63  }
0x4b: {  	s18 =	sadd.s32 $0x40, s18;
	v0 =	vld.msk [tilespmem:s19+$0x0 ss:$0x1], $0xffff  }
0x4c: {  	_ =	sdelay $0x3  }
0x4d: {  	v1 =	vand.u32 $0xF, v0;
	v2 =	vshll.u32 v0, $0x3  }
0x4e: {  	vm2 =	veq.s32 v0, $0x80000000;
	v61 =	vmul.u32 $0x32000, v1;
	v62 =	vand.u32 $0x3FF80, v2  }
0x4f: {  	v1 =	vsel vm2, $0xFFFFFF80, v62  }
0x50: {  	v0 =	vsel vm2, $0xFFFCE000, v61;
	v63 =	vand.u32 $0xFFFFFC00, v1  }
0x51: {  	v1 =	vand.u32 $0x380, v1;
	v0 =	vadd.s32 v0, v63  }
0x52: {  	v0 =	vor.u32 v1, v0  }
0x53: {  	v0 =	vshrl.u32 v0, $0x3;
	_ =	sdelay $0x3  }
0x54: {  	s16 =	sadd.s32 $0x800, s17  }
0x55: {  	[tilespmem:s16], [sflag:$0x1] =	stream.indirect_vreg.gather [hbm:s4], $0x80, v0, vm0, $0x38;
	[tilespmem:$0x14280] =	vst v63  }
0x56: {  	s16 =	sadd.s32 $0x400, s16  }
0x57: {  	[tilespmem:s16], [sflag:$0x1] =	stream.indirect_vreg.gather [hbm:s4], $0x80, v0, vm1, $0x38;
	[tilespmem:$0x14280] =	vst v63  }
0x58: {  	s13 =	sshll.u32 s13, $0x4;
	_ =	swait.ge [sflag:s6], $0xA000  }
0x59: {  	s13 =	sadd.s32 s13, s9;
	[sflag:s6] =	ssyncset.done $0x0  }
0x5a: {  	s17 =	sadd.s32 $0x0, s13;
	s16 =	simm.s32 $0x80;
	[sflag:s6] =	ssyncadd.s32 $0xFFFF6000  }
.LBB2_5:
0x5b: {  	[hbm:s17] =	stream.linear.scatter [tilespmem:s14], [sflag:$0x3], $0x400, $0x38;
	[tilespmem:$0x14280] =	vst v63  }
0x5c: {  	s17 =	smov.u32 s16;
	s14 =	smov.u32 s15;
	p1 =	sne.s32 s16, $0x1380  }
.Ltmp4:
0x5d: {  	s16 =	sadd.s32 $0x80, s16;
	(pc) =	sbr.rel @p1 .LBB2_5-.Ltmp4, $2  }
0x5e: {  	_ =	sdelay $0x2  }
0x5f: {  	s15 =	sadd.s32 $0x400, s15;
	s17 =	sadd.s32 s17, s13  }
.Ltmp5:
0x60: {  	_ = 	snop;
	(pc) =	sbr.rel .LBB2_6-.Ltmp5, $1  }
0x61: {  	_ =	sdelay $0x3  }
.LBB2_8:
0x62: {  	_ =	sfence.sel $0x180000  }
0x63: {  	s2 =	simm.s32 $0x2;
	[bflag:$0x0] =	sbarrier.arrive $0xFFFF  }
0x64: {  	s30 =	simm.s32 $0x3;
	[sflag:s2] =	ssyncpa.u1 $0x1  }
0x65: {  	s31 =	simm.s32 $0x1;
	[sflag:s30] =	ssyncpa.u1 $0x1  }
0x66: {  	[sflag:s31] =	ssyncpa.u1 $0x1  }
0x67: {  	p0 =	sne.s32 s0, $0x0;
	_ =	strace $0x90000047  }
0x68: {  	s0 =	sadd.s32 @!p0 $0x100000, s1;
	[bflag:$0x2] =	sbarrier.arrive $0xFFFF  }
0x69: {  	[sflag:s0] =	ssyncadd.tile.s32 @!p0 $0x1;
	_ =	shalt  }
.Lfunc_end2:
_tile_overlayer_lowered:
.L_overlay_start_2:
0x6a: {  	(tag) =	ssettag $0x2  }
0x6b: {  	s0 =	rddreg [dreg:$0x0];
	s2 =	stileid.u32  }
0x6c: {  	s1 =	rddreg [dreg:$0x1];
	p0 =	sne.s32 s2, $0x0  }
0x6d: {  	s3 =	rddreg [dreg:$0x2];
	[bflag:$0x3] =	sbarrier.arrive $0xFFFF;
	s2 =	simm.s32 @!p0 $0x1C01  }
0x6e: {  	[timem:s3], [sflag:s2] =	dma.local @!p0 [hbm:s0], s1  }
0x6f: {  	s0 =	simm.s32 @!p0 $0x1  }
0x70: {  	_ =	swait.ge @!p0 [sflag:s0], s1  }
0x71: {  	s1 =	ssub.s32 @!p0 $0x0, s1;
	[sflag:s0] =	ssyncset.done @!p0 $0x0  }
0x72: {  	[sflag:s0] =	ssyncadd.s32 @!p0 s1  }
0x73: {  	[bflag:$0x3] =	sbarrier.arrive $0xFFFF  }
0x74: {  	_ =	shalt  }

// kernel: gather_offload_async_start
scs
__scs_entry_jumppad:
0x0: {  	(pc) =	sbr.rel $0x88, $3  }
0x1: {  	(tag) =	ssettag $0x0;
	lr =	simm.s32 $0x1  }
0x2: {  	[smem:$0x3F9B] =	sst lr;
	_ =	strace $0xD0000000  }
0x3: {  	_ = 	snop  }
0x4: {  	_ = 	snop  }
0x5: {  	_ = 	snop  }
0x6: {  	_ = 	snop  }
0x7: {  	_ = 	snop  }
__scs_overlays_trampoline_lowered:
0x8: {  	[smem:$0x3FAA] =	sst s0  }
0x9: {  	[smem:$0x3FAB] =	sst s1  }
0xa: {  	[smem:$0x3FAC] =	sst s2  }
0xb: {  	[smem:$0x3FAD] =	sst s3  }
0xc: {  	[smem:$0x3FAE] =	sst s4  }
0xd: {  	[smem:$0x3FAF] =	sst s5  }
0xe: {  	[smem:$0x3FB0] =	sst s6  }
0xf: {  	[smem:$0x3FB1] =	sst s7  }
0x10: {  	[smem:$0x3FB2] =	sst s8  }
0x11: {  	[smem:$0x3FB3] =	sst s9;
	s0 =	simm.s32 @!p0 $0x0  }
0x12: {  	s1 =	sld [smem:$0x3F99];
	s0 =	simm.s32 @p0 $0x1  }
0x13: {  	[smem:$0x3FB4] =	sst s0;
	s0 =	simm.s32 @!p1 $0x0  }
0x14: {  	s2 =	sld [smem:$0x3F98];
	s0 =	simm.s32 @p1 $0x1  }
0x15: {  	[smem:$0x3FB5] =	sst s0;
	s0 =	simm.s32 @!p2 $0x0  }
0x16: {  	s3 =	sld [smem:$0x3FDB];
	s0 =	simm.s32 @p2 $0x1  }
0x17: {  	s4 =	simm.s32 $0x1BF5;
	[smem:$0x3FB7] =	sst s0  }
0x18: {  	s0 =	sld [smem:$0x3F9A];
	_ =	swait.ge [sflag:s4], $0x0  }
0x19: {  	s7 =	sld [smem:$0x3F9B]  }
0x1a: {  	s8 =	sadd.s32 $0xFFFFE003, lr  }
0x1b: {  	s9 =	sadd.s32 $0xFFFFFEF7, lr;
	s5 =	simm.s32 $0xFFFFFFFF;
	p2 =	slt.u32 s8, $0xFFFFF086  }
0x1c: {  	p1 =	slt.u32 s9, $0xF7A;
	s5 =	simm.s32 @!p2 $0x0  }
0x1d: {  	s5 =	simm.s32 @p1 $0x1;
	p0 =	seq.s32 s7, s2  }
0x1e: {  	s7 =	smul.u32 @!p0 $0xF7A, s2;
	p2 =	seq.s32 @!p0 s5, $0x0  }
0x1f: {  	s9 =	smul.u32 $0xF7A, s1;
	s8 =	simm.s32 @!p0 $0x1BF5;
	p2 =	por !p2, p0  }
0x20: {  	[sflag:s8] =	ssyncset.s32 @!p0 $0xFFFFF086;
	s6 =	sadd.s32 @!p0 s3, s7;
	s7 =	simm.s32 @!p0 $0x108  }
0x21: {  	s3 =	sadd.s32 s3, s9;
	s6 =	sadd.s32 @!p0 $0x88, s6;
	s7 =	simm.s32 @p2 $0x1082  }
0x22: {  	[simem:s7], [sflag:s8] =	dma.local @!p0 [hbm:s6], $0xF7A  }
0x23: {  	s9 =	sor.u32 $0xD0000000, s2;
	s6 =	simm.s32 $0x108;
	_ =	swait.ge @!p0 [sflag:s8], $0x0  }
0x24: {  	s3 =	sadd.s32 $0x88, s3;
	s6 =	simm.s32 @!p1 $0x1082;
	[sflag:s4] =	ssyncset.s32 $0xFFFFF086  }
0x25: {  	[simem:s6], [sflag:s4] =	dma.local [hbm:s3], $0xF7A  }
0x26: {  	[smem:$0x3F9B] =	sst s1;
	(tag) =	ssettag s2;
	_ =	strace s9  }
0x27: {  	s1 =	sld [smem:$0x3FAB]  }
0x28: {  	s2 =	sld [smem:$0x3FAC]  }
0x29: {  	s4 =	sld [smem:$0x3FAE]  }
0x2a: {  	p0 =	seq.s32 s5, $0x0;
	s5 =	sld [smem:$0x3FAF]  }
0x2b: {  	s6 =	sld [smem:$0x3FB0]  }
0x2c: {  	s7 =	sld [smem:$0x3FB1]  }
0x2d: {  	s3 =	simm.s32 $0x108;
	s8 =	sld [smem:$0x3FB2]  }
0x2e: {  	s3 =	simm.s32 @!p0 $0x1082;
	s9 =	sld [smem:$0x3FB3]  }
0x2f: {  	lr =	sadd.s32 s0, s3;
	s0 =	sld [smem:$0x3FAA]  }
0x30: {  	s3 =	sld [smem:$0x3FAD]  }
0x31: {  	[smem:$0x3FB6] =	sst s10  }
0x32: {  	s10 =	sld [smem:$0x3FB4];
	_ =	sdelay $0x3  }
0x33: {  	p0 =	seq.s32 s10, $0x1;
	s10 =	sld [smem:$0x3FB6];
	_ =	sdelay $0x3  }
0x34: {  	[smem:$0x3FB6] =	sst s10  }
0x35: {  	s10 =	sld [smem:$0x3FB5];
	_ =	sdelay $0x3  }
0x36: {  	p1 =	seq.s32 s10, $0x1;
	s10 =	sld [smem:$0x3FB6];
	_ =	sdelay $0x3  }
0x37: {  	[smem:$0x3FB6] =	sst s10  }
0x38: {  	s10 =	sld [smem:$0x3FB7]  }
0x39: {  	_ = 	snop;
	(pc) =	sbr.ind lr, $3  }
0x3a: {  	_ = 	snop  }
0x3b: {  	_ = 	snop  }
0x3c: {  	p2 =	seq.s32 s10, $0x1;
	s10 =	sld [smem:$0x3FB6]  }
0x3d: {  	_ =	shalt  }
0x3e: {  	_ =	shalt  }
0x3f: {  	_ =	shalt  }
0x40: {  	_ =	shalt  }
0x41: {  	_ =	shalt  }
0x42: {  	_ =	shalt  }
0x43: {  	_ =	shalt  }
0x44: {  	_ =	shalt  }
0x45: {  	_ =	shalt  }
0x46: {  	_ =	shalt  }
0x47: {  	_ =	shalt  }
0x48: {  	_ =	shalt  }
0x49: {  	_ =	shalt  }
0x4a: {  	_ =	shalt  }
0x4b: {  	_ =	shalt  }
0x4c: {  	_ =	shalt  }
0x4d: {  	_ =	shalt  }
0x4e: {  	_ =	shalt  }
0x4f: {  	_ =	shalt  }
0x50: {  	_ =	shalt  }
0x51: {  	_ =	shalt  }
0x52: {  	_ =	shalt  }
0x53: {  	_ =	shalt  }
0x54: {  	_ =	shalt  }
0x55: {  	_ =	shalt  }
0x56: {  	_ =	shalt  }
0x57: {  	_ =	shalt  }
0x58: {  	_ =	shalt  }
0x59: {  	_ =	shalt  }
0x5a: {  	_ =	shalt  }
0x5b: {  	_ =	shalt  }
0x5c: {  	_ =	shalt  }
0x5d: {  	_ =	shalt  }
0x5e: {  	_ =	shalt  }
0x5f: {  	_ =	shalt  }
0x60: {  	_ =	shalt  }
0x61: {  	_ =	shalt  }
0x62: {  	_ =	shalt  }
0x63: {  	_ =	shalt  }
0x64: {  	_ =	shalt  }
0x65: {  	_ =	shalt  }
0x66: {  	_ =	shalt  }
0x67: {  	_ =	shalt  }
0x68: {  	_ =	shalt  }
0x69: {  	_ =	shalt  }
0x6a: {  	_ =	shalt  }
0x6b: {  	_ =	shalt  }
0x6c: {  	_ =	shalt  }
0x6d: {  	_ =	shalt  }
0x6e: {  	_ =	shalt  }
0x6f: {  	_ =	shalt  }
0x70: {  	_ =	shalt  }
0x71: {  	_ =	shalt  }
0x72: {  	_ =	shalt  }
0x73: {  	_ =	shalt  }
0x74: {  	_ =	shalt  }
0x75: {  	_ =	shalt  }
0x76: {  	_ =	shalt  }
0x77: {  	_ =	shalt  }
0x78: {  	_ =	shalt  }
0x79: {  	_ =	shalt  }
0x7a: {  	_ =	shalt  }
0x7b: {  	_ =	shalt  }
0x7c: {  	_ =	shalt  }
0x7d: {  	_ =	shalt  }
0x7e: {  	_ =	shalt  }
0x7f: {  	_ =	shalt  }
0x80: {  	_ =	shalt  }
0x81: {  	_ =	shalt  }
0x82: {  	_ =	shalt  }
0x83: {  	_ =	shalt  }
0x84: {  	_ =	shalt  }
0x85: {  	_ =	shalt  }
0x86: {  	_ =	shalt  }
0x87: {  	_ =	shalt  }
.Lfunc_end0:
.L_simem_size_0:
called_computation_lowered:
.L_overlay_start_0:
0x88: {  	s2 =	sld [smem:$0x3FD9]  }
0x89: {  	s3 =	sld [smem:$0x3FFE];
	_ =	sdelay $0x1  }
0x8a: {  	s1 =	srdreg.scid  }
0x8b: {  	s0 =	sand.u32 $0x1, s1  }
0x8c: {  	s17 =	sshll.u32 s0, $0xA;
	s2 =	sadd.s32 s3, s2  }
0x8d: {  	s2 =	sadd.s32 s2, s17  }
0x8e: {  	[smem:$0x3FC2] =	sst s2  }
0x8f: {  	_ = 	snop  }
0x90: {  	(tm) =	ssettm $0x1  }
0x91: {  	s18 =	sld [smem:$0x3FFB];
	_ =	sdelay $0x3  }
0x92: {  	_ =	strace s18  }
0x93: {  	s2 =	sld [smem:$0x3FFC];
	_ =	sdelay $0x3  }
0x94: {  	_ =	strace s2  }
0x95: {  	s2 =	sld [smem:$0x3FFD];
	_ =	sdelay $0x3  }
0x96: {  	_ =	strace s2  }
0x97: {  	_ =	strace $0x8FFFFFFF  }
0x98: {  	s19 =	sld [smem:$0x3FDB];
	_ =	sdelay $0x1  }
0x99: {  	s20 =	simm.s32 $_scs_section_size  }
0x9a: {  	s4 =	simm.s32 $_size__tile_overlayer_lowered;
	s5 =	simm.s32 $_tile_overlayer_lowered  }
0x9b: {  	s6 =	simm.s32 $0x1BFF;
	s21 =	sshll.u32 s5, $0x1;
	s3 =	sadd.s32 s20, s19  }
0x9c: {  	s22 =	simm.s32 $0x0;
	s4 =	sshll.u32 s4, $0x1;
	s5 =	sadd.s32 s21, s3  }
0x9d: {  	[timem:s22], [sflag:s6] =	dma.local [hbm:s5], s4  }
0x9e: {  	_ =	swait.ge [sflag:s6], s4  }
0x9f: {  	s4 =	ssub.s32 $0x0, s4;
	[sflag:s6] =	ssyncset.done $0x0  }
0xa0: {  	[sflag:s6] =	ssyncadd.s32 s4;
	_ =	sdelay $0x1  }
0xa1: {  	s23 =	simm.s32 $0x1B8B  }
0xa2: {  	_ =	swait.ge [sflag:s23], $0x1  }
0xa3: {  	[sflag:s23] =	ssyncset.done $0x0  }
0xa4: {  	[sflag:s23] =	ssyncadd.s32 $0xFFFFFFFF  }
0xa5: {  	s4 =	sld [smem:$0x0]  }
0xa6: {  	s5 =	sand.u32 $0xFFFFFFFE, s1  }
0xa7: {  	p0 =	sne.s32 s1, s5  }
0xa8: {  	s5 =	sshll.u32 @p0 s5, $0xE  }
0xa9: {  	s5 =	sadd.s32 @p0 $0x11B8D, s5;
	s6 =	sshll.u32 @p0 s4, $0x11  }
0xaa: {  	s5 =	sor.u32 @p0 s6, s5  }
0xab: {  	[sflag:s5] =	ssyncadd.remote.s32 @p0 $0x1;
	_ =	sdelay $0x1  }
0xac: {  	s5 =	simm.s32 @p0 $0x1B8D  }
0xad: {  	_ =	swait.eq @p0 [sflag:s5], $0x1  }
0xae: {  	[sflag:s5] =	ssyncadd.s32 @p0 $0xFFFFFFFF  }
0xaf: {  	s6 =	sshll.u32 @!p0 s1, $0xE  }
0xb0: {  	s6 =	sor.u32 @!p0 $0x4000, s6;
	s5 =	simm.s32 @!p0 $0x1B8D  }
0xb1: {  	s4 =	sshll.u32 @!p0 s4, $0x11;
	s6 =	sadd.s32 @!p0 $0x11B8D, s6;
	_ =	swait.eq @!p0 [sflag:s5], $0x1  }
0xb2: {  	s4 =	sor.u32 @!p0 s4, s6;
	[sflag:s5] =	ssyncadd.s32 @!p0 $0xFFFFFFFF  }
0xb3: {  	s25 =	simm.s32 $0x1B8E;
	s24 =	sld [smem:$0x3FFE];
	[sflag:s4] =	ssyncadd.remote.s32 @!p0 $0x1  }
0xb4: {  	s26 =	simm.s32 $execute0_lowered;
	[smem:$0x3FD2] =	sst s25  }
0xb5: {  	s5 =	sshll.u32 s26, $0x1;
	_ =	strace $0x8000004F;
	[dreg:$0x1] =	wrdreg $0xFFFFFFFF  }
0xb6: {  	s28 =	simm.s32 $_size_execute0_lowered;
	s3 =	sadd.s32 s3, s5;
	[dreg:$0x0] =	wrdreg $0x0  }
0xb7: {  	s5 =	sshll.u32 s28, $0x1;
	[dreg:$0x2] =	wrdreg s3  }
0xb8: {  	[dreg:$0x3] =	wrdreg s5  }
0xb9: {  	[dreg:$0x4] =	wrdreg $0xC0  }
0xba: {  	_ =	task [dreg:s22], $0x5FFFF  }
0xbb: {  	[dreg:$0x1] =	wrdreg $0xFFFFFFFF  }
0xbc: {  	[dreg:$0x0] =	wrdreg $0x60  }
0xbd: {  	[dreg:$0x2] =	wrdreg s24  }
0xbe: {  	[dreg:$0x3] =	wrdreg $0xA  }
0xbf: {  	_ =	task.clear_ibuf [dreg:s22], $0x4FFFF;
	_ =	strace $0x9000004F  }
0xc0: {  	s29 =	simm.s32 $0xA;
	_ =	strace $0x80000051  }
0xc1: {  	_ =	swait.ge [sflag:s29], $0x1  }
0xc2: {  	[sflag:s29] =	ssyncadd.s32 $0xFFFFFFFF  }
0xc3: {  	_ =	strace $0x90000051  }
0xc4: {  	_ =	sfence  }
0xc5: {  	s30 =	sld [smem:$0x0];
	_ =	sdelay $0x2  }
0xc6: {  	s31 =	sshll.u32 s1, $0xD;
	s1 =	sshrl.u32 s1, $0x2  }
0xc7: {  	s4 =	sand.u32 $0x4000, s31;
	s1 =	sadd.s32 s1, s30  }
0xc8: {  	s0 =	sor.u32 s4, s0;
	s1 =	sshll.u32 s1, $0x11  }
0xc9: {  	s0 =	sor.u32 s1, s0  }
0xca: {  	s0 =	sadd.s32 $0x8F2B, s0  }
0xcb: {  	[sflag:s0] =	ssyncadd.remote.s32 $0x1  }
0xcc: {  	_ =	sfence.sel $0xFFFF  }
0xcd: {  	[dreg:$0x0] =	wrdreg $0xFFFFFFFF;
	(pc) =	sbr.abs _section_cstart, $3  }
0xce: {  	[dreg:$0x1] =	wrdreg $0xFFFFFFFF  }
0xcf: {  	_ =	task.clear_ibuf [dreg:s22], $0x2FFFF;
	_ =	strace $0x9FFFFFFF  }
0xd0: {  	(tm) =	ssettm $0x7FFFFFFF  }
0xd1: {  	_ =	shalt  }
tec
execute0_lowered:
.L_overlay_start_1:
0x0: {  	(tag) =	ssettag $0x1  }
0x1: {  	s0 =	srdreg.scid  }
0x2: {  	s1 =	sshll.u32 s0, $0x4  }
0x3: {  	s0 =	stileid.u32;
	s1 =	sand.u32 $0x10, s1  }
0x4: {  	s1 =	sor.u32 s0, s1  }
0x5: {  	s2 =	smin.u32 s1, $0x12  }
0x6: {  	s2 =	sadd.s32 s1, s2  }
0x7: {  	p0 =	slt.u32 s1, $0x12;
	s1 =	simm.s32 $0x280;
	s2 =	smul.u32 $0x140, s2  }
0x8: {  	s1 =	simm.s32 @!p0 $0x140  }
0x9: {  	s1 =	sadd.s32 s1, s2  }
0xa: {  	s3 =	smin.u32 s1, $0x3E80  }
0xb: {  	s7 =	ssub.s32 s3, s2  }
0xc: {  	p0 =	sgt.s32 s7, $0x0  }
0xd: {  	s7 =	simm.s32 @!p0 $0x0  }
0xe: {  	s4 =	smul.u32 $0xCCCD, s7  }
0xf: {  	s9 =	rddreg [dreg:$0x0];
	s6 =	simm.s32 $0x1;
	s11 =	simm.s32 $0x3  }
0x10: {  	s13 =	simm.s32 $0x0;
	s12 =	simm.s32 $0x0;
	s8 =	sshrl.u32 s4, $0x18  }
0x11: {  	s1 =	rddreg [dreg:$0x1];
	_ =	strace $0x80000050;
	s10 =	smul.u32 $0x140, s8  }
.Ltmp0:
0x12: {  	s5 =	sadd.s32 $0x1F5200, s9;
	[sflag:s6] =	ssyncpa.u1 $0x0;
	(pc) =	sbr.rel .LBB2_1-.Ltmp0, $4  }
0x13: {  	s4 =	sadd.s32 $0x65200, s9;
	p0 =	sne.s32 s7, s10;
	s10 =	simm.s32 $0x1  }
0x14: {  	s9 =	sadd.s32 $0x210400, s9;
	s7 =	simm.s32 $0x2;
	s10 =	simm.s32 @!p0 $0x0  }
0x15: {  	[sflag:s7] =	ssyncpa.u1 $0x0;
	p0 =	por $0x0, $0x0;
	s8 =	sadd.s32 s8, s10  }
0x16: {  	vm0 =	vmmov $0xff;
	vm1 =	vcmask $0x3F20;
	[sflag:s11] =	ssyncpa.u1 $0x0;
	s11 =	smov.u32 s2;
	s10 =	sadd.s32 $0x1, s8  }
.LBB2_6:
0x17: {  	[hbm:s17] =	stream.linear.scatter [tilespmem:s14], [sflag:$0x3], $0x400, $0x38;
	[tilespmem:$0x14280] =	vst v63  }
.LBB2_7:
0x18: {  	s13 =	sadd.s32 $0x140, s11  }
0x19: {  	s15 =	smov.u32 s2;
	p2 =	slt.s32 s13, s3  }
0x1a: {  	s15 =	smov.u32 @p2 s13;
	p2 =	sne.s32 s12, s10  }
.Ltmp1:
0x1b: {  	p1 =	slt.u32 s12, $0x2;
	(pc) =	sbr.rel @!p2 .LBB2_8-.Ltmp1, $4  }
0x1c: {  	s14 =	simm.s32 @!p1 $0x3  }
0x1d: {  	s16 =	sadd.s32 $0x1, s12;
	_ =	swait.ge @!p1 [sflag:s14], $0xA000  }
0x1e: {  	p0 =	por !p0, !p0;
	s13 =	smov.u32 s11;
	[sflag:s14] =	ssyncset.done @!p1 $0x0  }
0x1f: {  	s12 =	smov.u32 s16;
	s11 =	smov.u32 s15;
	[sflag:s14] =	ssyncadd.s32 @!p1 $0xFFFF6000  }
.LBB2_1:
0x20: {  	p1 =	sge.u32 s12, s8  }
0x21: {  	s14 =	sxor.u32 @!p1 $0xFFFFFFFF, s12  }
0x22: {  	s14 =	sand.u32 @!p1 $0x1, s14  }
0x23: {  	s14 =	smul.u32 @!p1 $0x500, s14  }
0x24: {  	s31 =	sadd.s32 $0xFFFFFFFF, s12;
	s15 =	sshrl.u32 @!p1 s11, $0x3  }
0x25: {  	s16 =	sand.u32 @!p1 $0x7, s11;
	s15 =	sadd.s32 @!p1 s5, s15;
	s14 =	sshrl.u32 @!p1 s14, $0x2  }
0x26: {  	[tilespmem:s14], [sflag:$0x2] =	stream.linear.gather @!p1 [hbm4b:s15+s16], $0x140, $0x38;
	[tilespmem:$0x14280] =	vst v63  }
0x27: {  	p1 =	sge.u32 s31, s8  }
.Ltmp2:
0x28: {  	_ = 	snop;
	(pc) =	sbr.rel @p1 .LBB2_7-.Ltmp2, $1  }
0x29: {  	_ =	sdelay $0x3  }
0x2a: {  	s14 =	simm.s32 $0x1  }
0x2b: {  	s14 =	simm.s32 @!p0 $0x0  }
0x2c: {  	s15 =	smul.u32 $0x500, s14  }
0x2d: {  	_ =	swait.ge [sflag:s7], $0x140  }
0x2e: {  	[sflag:s7] =	ssyncset.done $0x0;
	s16 =	sshrl.u32 s15, $0x2  }
0x2f: {  	[sflag:s7] =	ssyncadd.s32 $0xFFFFFEC0;
	s15 =	sadd.s32 $0x0, s16  }
0x30: {  	v0 =	vld.msk [tilespmem:s15+$0x0 ss:$0x1], $0xffff;
	_ =	sdelay $0x4  }
0x31: {  	v1 =	vand.u32 $0xF, v0;
	v2 =	vshll.u32 v0, $0x3  }
0x32: {  	vm2 =	veq.s32 v0, $0x80000000;
	v0 =	vmul.u32 $0xC8000, v1;
	v1 =	vand.u32 $0xFFF80, v2  }
0x33: {  	v1 =	vsel vm2, $0xFFFFFF80, v1  }
0x34: {  	v0 =	vsel vm2, $0xFFF38000, v0;
	v2 =	vand.u32 $0xFFFFFC00, v1  }
0x35: {  	v1 =	vand.u32 $0x380, v1;
	v0 =	vadd.s32 v0, v2  }
0x36: {  	v0 =	vor.u32 v1, v0  }
0x37: {  	v0 =	vshrl.u32 v0, $0x3  }
0x38: {  	s14 =	smul.u32 $0x28000, s14;
	_ =	sdelay $0x1  }
0x39: {  	s14 =	sshrl.u32 s14, $0x2  }
0x3a: {  	s14 =	sor.u32 $0x280, s14  }
0x3b: {  	[tilespmem:s14], [sflag:$0x1] =	stream.indirect_vreg.gather [hbm:s4], $0x80, v0, vm0, $0x38;
	[tilespmem:$0x14280] =	vst v63  }
0x3c: {  	s17 =	sadd.s32 $0x10, s16;
	s15 =	sadd.s32 $0x400, s14  }
0x3d: {  	[tilespmem:s15], [sflag:$0x1] =	stream.indirect_vreg.gather [hbm:s4], $0x80, v0, vm1, $0x38;
	[tilespmem:$0x14280] =	vst v63  }
0x3e: {  	s18 =	simm.s32 $0x80;
	v0 =	vld.msk [tilespmem:s17+$0x0 ss:$0x1], $0xffff;
	s17 =	smov.u32 s14  }
.LBB2_3:
0x3f: {  	p1 =	sne.s32 s18, $0x4C0;
	_ =	sdelay $0x4  }
0x40: {  	v1 =	vand.u32 $0xF, v0;
	v2 =	vshll.u32 v0, $0x3  }
0x41: {  	vm2 =	veq.s32 v0, $0x80000000;
	v0 =	vmul.u32 $0xC8000, v1;
	v1 =	vand.u32 $0xFFF80, v2  }
0x42: {  	v1 =	vsel vm2, $0xFFFFFF80, v1  }
0x43: {  	v0 =	vsel vm2, $0xFFF38000, v0;
	v2 =	vand.u32 $0xFFFFFC00, v1  }
0x44: {  	v1 =	vand.u32 $0x380, v1;
	v0 =	vadd.s32 v0, v2  }
0x45: {  	v0 =	vor.u32 v1, v0  }
0x46: {  	v0 =	vshrl.u32 v0, $0x3;
	_ =	sdelay $0x3  }
.Ltmp3:
0x47: {  	s19 =	sshra.s32 s18, $0x2;
	s17 =	sadd.s32 $0x800, s17;
	(pc) =	sbr.rel @p1 .LBB2_3-.Ltmp3, $4  }
0x48: {  	[tilespmem:s17], [sflag:$0x1] =	stream.indirect_vreg.gather [hbm:s4], $0x80, v0, vm0, $0x38;
	[tilespmem:$0x14280] =	vst v63  }
0x49: {  	s19 =	sadd.s32 s19, s16;
	s20 =	sadd.s32 $0x400, s17  }
0x4a: {  	[tilespmem:s20], [sflag:$0x1] =	stream.indirect_vreg.gather [hbm:s4], $0x80, v0, vm1, $0x38;
	[tilespmem:$0x14280] =	vst v63  }
0x4b: {  	s18 =	sadd.s32 $0x40, s18;
	v0 =	vld.msk [tilespmem:s19+$0x0 ss:$0x1], $0xffff  }
0x4c: {  	_ =	sdelay $0x3  }
0x4d: {  	v1 =	vand.u32 $0xF, v0;
	v2 =	vshll.u32 v0, $0x3  }
0x4e: {  	vm2 =	veq.s32 v0, $0x80000000;
	v61 =	vmul.u32 $0xC8000, v1;
	v62 =	vand.u32 $0xFFF80, v2  }
0x4f: {  	v1 =	vsel vm2, $0xFFFFFF80, v62  }
0x50: {  	v0 =	vsel vm2, $0xFFF38000, v61;
	v63 =	vand.u32 $0xFFFFFC00, v1  }
0x51: {  	v1 =	vand.u32 $0x380, v1;
	v0 =	vadd.s32 v0, v63  }
0x52: {  	v0 =	vor.u32 v1, v0  }
0x53: {  	v0 =	vshrl.u32 v0, $0x3;
	_ =	sdelay $0x3  }
0x54: {  	s16 =	sadd.s32 $0x800, s17  }
0x55: {  	[tilespmem:s16], [sflag:$0x1] =	stream.indirect_vreg.gather [hbm:s4], $0x80, v0, vm0, $0x38;
	[tilespmem:$0x14280] =	vst v63  }
0x56: {  	s16 =	sadd.s32 $0x400, s16  }
0x57: {  	[tilespmem:s16], [sflag:$0x1] =	stream.indirect_vreg.gather [hbm:s4], $0x80, v0, vm1, $0x38;
	[tilespmem:$0x14280] =	vst v63  }
0x58: {  	s13 =	sshll.u32 s13, $0x4;
	_ =	swait.ge [sflag:s6], $0xA000  }
0x59: {  	s13 =	sadd.s32 s13, s9;
	[sflag:s6] =	ssyncset.done $0x0  }
0x5a: {  	s17 =	sadd.s32 $0x0, s13;
	s16 =	simm.s32 $0x80;
	[sflag:s6] =	ssyncadd.s32 $0xFFFF6000  }
.LBB2_5:
0x5b: {  	[hbm:s17] =	stream.linear.scatter [tilespmem:s14], [sflag:$0x3], $0x400, $0x38;
	[tilespmem:$0x14280] =	vst v63  }
0x5c: {  	s17 =	smov.u32 s16;
	s14 =	smov.u32 s15;
	p1 =	sne.s32 s16, $0x1380  }
.Ltmp4:
0x5d: {  	s16 =	sadd.s32 $0x80, s16;
	(pc) =	sbr.rel @p1 .LBB2_5-.Ltmp4, $2  }
0x5e: {  	_ =	sdelay $0x2  }
0x5f: {  	s15 =	sadd.s32 $0x400, s15;
	s17 =	sadd.s32 s17, s13  }
.Ltmp5:
0x60: {  	_ = 	snop;
	(pc) =	sbr.rel .LBB2_6-.Ltmp5, $1  }
0x61: {  	_ =	sdelay $0x3  }
.LBB2_8:
0x62: {  	_ =	sfence.sel $0x180000  }
0x63: {  	s2 =	simm.s32 $0x2;
	[bflag:$0x0] =	sbarrier.arrive $0xFFFF  }
0x64: {  	s30 =	simm.s32 $0x3;
	[sflag:s2] =	ssyncpa.u1 $0x1  }
0x65: {  	s31 =	simm.s32 $0x1;
	[sflag:s30] =	ssyncpa.u1 $0x1  }
0x66: {  	[sflag:s31] =	ssyncpa.u1 $0x1  }
0x67: {  	p0 =	sne.s32 s0, $0x0;
	_ =	strace $0x90000050  }
0x68: {  	s0 =	sadd.s32 @!p0 $0x100000, s1;
	[bflag:$0x2] =	sbarrier.arrive $0xFFFF  }
0x69: {  	[sflag:s0] =	ssyncadd.tile.s32 @!p0 $0x1;
	_ =	shalt  }
.Lfunc_end2:
_tile_overlayer_lowered:
.L_overlay_start_2:
0x6a: {  	(tag) =	ssettag $0x2  }
0x6b: {  	s0 =	rddreg [dreg:$0x0];
	s2 =	stileid.u32  }
0x6c: {  	s1 =	rddreg [dreg:$0x1];
	p0 =	sne.s32 s2, $0x0  }
0x6d: {  	s3 =	rddreg [dreg:$0x2];
	[bflag:$0x3] =	sbarrier.arrive $0xFFFF;
	s2 =	simm.s32 @!p0 $0x1C01  }
0x6e: {  	[timem:s3], [sflag:s2] =	dma.local @!p0 [hbm:s0], s1  }
0x6f: {  	s0 =	simm.s32 @!p0 $0x1  }
0x70: {  	_ =	swait.ge @!p0 [sflag:s0], s1  }
0x71: {  	s1 =	ssub.s32 @!p0 $0x0, s1;
	[sflag:s0] =	ssyncset.done @!p0 $0x0  }
0x72: {  	[sflag:s0] =	ssyncadd.s32 @!p0 s1  }
0x73: {  	[bflag:$0x3] =	sbarrier.arrive $0xFFFF  }
0x74: {  	_ =	shalt  }

</sc_bundles>
